<compile_context>
chip_gen: v7x
topology: tpu7x:2x2x1
jax: 0.10.2.dev20260603
libtpu: 0.0.44.dev20260713+nightly
codegen_flags: <defaults>
</compile_context>

<pallas_src>
import functools

import jax
import jax.numpy as jnp
from jax import lax
from jax.experimental import pallas as pl
from jax.experimental.pallas import tpu as pltpu
from jax.experimental.pallas import tpu_sc as plsc

_NUM_CORES = 2
_NUM_SUBCORES = 16
_NUM_WORKERS = _NUM_CORES * _NUM_SUBCORES
_CHUNK = 64


def kernel(inputs, input_table, position_table):
    batch, seqlen = inputs.shape
    vocab, embed = input_table.shape
    n = batch * seqlen
    rpw = n // _NUM_WORKERS
    n_chunks = rpw // _CHUNK
    wpb = seqlen // rpw

    mesh = plsc.VectorSubcoreMesh(
        core_axis_name="c", subcore_axis_name="s",
        num_cores=_NUM_CORES, num_subcores=_NUM_SUBCORES)

    @functools.partial(
        pl.kernel,
        out_type=jax.ShapeDtypeStruct((batch, seqlen, embed), jnp.float32),
        mesh=mesh,
        scratch_types=[
            pltpu.VMEM((rpw,), jnp.int32),
            pltpu.VMEM((n_chunks, _CHUNK), jnp.int32),
            pltpu.VMEM((rpw, embed), jnp.float32),
            pltpu.VMEM_SHARED((_NUM_SUBCORES * rpw, embed), jnp.float32),
            pltpu.SemaphoreType.DMA,
            pltpu.SemaphoreType.DMA,
            pltpu.SemaphoreType.DMA,
        ],
    )
    def emb_kernel(idx_hbm, tab_hbm, pos_hbm, out_hbm,
                   idx_v, scat_v, rows_v, shared, sem, sem2, sem3):
        c = lax.axis_index("c")
        s = lax.axis_index("s")
        wid = s * _NUM_CORES + c
        b = wid // wpb
        col = (wid % wpb) * rpw
        base = s * rpw
        cp_pos = pltpu.async_copy(
            pos_hbm.at[pl.ds(col, rpw)], shared.at[pl.ds(base, rpw)], sem2)
        cp_idx = pltpu.async_copy(idx_hbm.at[b, pl.ds(col, rpw)], idx_v, sem)
        lanes = lax.iota(jnp.int32, 16)
        for j in range(n_chunks):
            for k in range(_CHUNK // 16):
                scat_v[j, pl.ds(k * 16, 16)] = lanes + (
                    base + j * _CHUNK + k * 16)
        cp_idx.wait()
        gathers = [
            pltpu.async_copy(
                tab_hbm.at[idx_v.at[pl.ds(j * _CHUNK, _CHUNK)]],
                rows_v.at[pl.ds(j * _CHUNK, _CHUNK)], sem)
            for j in range(n_chunks)
        ]
        cp_pos.wait()
        outs = []
        for j in range(n_chunks):
            gathers[j].wait()
            pltpu.sync_copy(
                rows_v.at[pl.ds(j * _CHUNK, _CHUNK)],
                shared.at[scat_v.at[j]], add=True)
            outs.append(pltpu.async_copy(
                shared.at[pl.ds(base + j * _CHUNK, _CHUNK)],
                out_hbm.at[b, pl.ds(col + j * _CHUNK, _CHUNK)], sem3))
        for o in outs:
            o.wait()

    return emb_kernel(inputs, input_table, position_table)

# --- scband reference (transcript-rebuilt; emitter-appended) ---
"""Pipeline reference for scband-embedding-47923245088888 (READ-ONLY COPY).

The authoritative reference and input builder live on the scoring server;
editing this copy changes nothing except your own understanding.
"""

import jax, jax.numpy as jnp
import numpy as np

VOCAB_SIZE = 100000
SEQLEN = 2048
EMBED = 128
BATCH = 4


def setup_inputs(seed: int = 0) -> dict:
    key = jax.random.key(seed)
    k1, k2, k3 = jax.random.split(key, 3)
    inputs = jax.random.randint(k1, (BATCH, SEQLEN), 0, VOCAB_SIZE, dtype=jnp.int64 if jax.config.jax_enable_x64 else jnp.int32).astype(jnp.int32)
    input_table = jax.random.normal(k2, (VOCAB_SIZE, EMBED), dtype=jnp.float32) * 0.02
    position_table = jax.random.normal(k3, (SEQLEN, EMBED), dtype=jnp.float32) * 0.02
    return {"inputs": inputs, "input_table": input_table, "position_table": position_table}


def reference(inputs, input_table, position_table):
    # GPT embedding: token embedding gather + position embedding gather, summed.
    # Dropout is identity in eval mode (deterministic reference).
    seqlen = inputs.shape[1]
    positions = jnp.arange(seqlen)
    tok_emb = jnp.take(input_table, inputs, axis=0)          # [B, S, E]
    pos_emb = jnp.take(position_table, positions, axis=0)    # [S, E]
    return tok_emb + pos_emb[None, :, :]

if __name__ == "__main__":
    import jax
    _d = setup_inputs()
    print(jax.jit(kernel)(*tuple(_d.values())))

</pallas_src>

<mosaic_0001>
#map = affine_map<(d0, d1) -> (0, 0)>
#map1 = affine_map<(d0, d1) -> (0, 0, 0)>
module attributes {stable_mosaic.version = 14 : i64} {
  func.func @emb_kernel(%arg0: i32, %arg1: i32, %arg2: memref<4x2048xi32, #tpu.memory_space<hbm>>, %arg3: memref<100000x128xf32, #tpu.memory_space<hbm>>, %arg4: memref<2048x128xf32, #tpu.memory_space<hbm>>, %arg5: memref<4x2048x128xf32, #tpu.memory_space<hbm>>, %arg6: memref<256xi32, #tpu.memory_space<vmem>>, %arg7: memref<4x64xi32, #tpu.memory_space<vmem>>, %arg8: memref<256x128xf32, #tpu.memory_space<vmem>>, %arg9: memref<4096x128xf32, #tpu.memory_space<vmem_shared>>, %arg10: memref<!tpu.dma_semaphore, #tpu.memory_space<semaphore_mem>>, %arg11: memref<!tpu.dma_semaphore, #tpu.memory_space<semaphore_mem>>, %arg12: memref<!tpu.dma_semaphore, #tpu.memory_space<semaphore_mem>>) attributes {dimension_semantics = [#tpu.dimension_semantics<core_parallel>, #tpu.dimension_semantics<subcore_parallel>], iteration_bounds = array<i64: 2, 16>, scalar_prefetch = 0 : i64, scratch_operands = 7 : i64, tpu.core_type = #tpu.core_type<sc_vector_subcore>, window_params = [{transform_indices = #map}, {transform_indices = #map}, {transform_indices = #map}, {transform_indices = #map1}]} {
    %mul3A = arith.constant 2 : i32
    %mul3A_0 = arith.muli %arg1, %mul3A : i32
    %add3A = arith.addi %mul3A_0, %arg0 : i32
    %jit3A = arith.constant 8 : i32
    %div3A = arith.divsi %add3A, %jit3A : i32
    %sign3A = arith.constant 0 : i32
    %sign3A_1 = arith.cmpi sgt, %add3A, %sign3A : i32
    %sign3A_2 = arith.extui %sign3A_1 : i1 to i32
    %sign3A_3 = arith.constant 0 : i32
    %sign3A_4 = arith.cmpi slt, %add3A, %sign3A_3 : i32
    %sign3A_5 = arith.extui %sign3A_4 : i1 to i32
    %sign3A_6 = arith.subi %sign3A_2, %sign3A_5 : i32
    %sign3A_7 = arith.constant 0 : i32
    %sign3A_8 = arith.cmpi sgt, %jit3A, %sign3A_7 : i32
    %sign3A_9 = arith.extui %sign3A_8 : i1 to i32
    %sign3A_10 = arith.constant 0 : i32
    %sign3A_11 = arith.cmpi slt, %jit3A, %sign3A_10 : i32
    %sign3A_12 = arith.extui %sign3A_11 : i1 to i32
    %sign3A_13 = arith.subi %sign3A_9, %sign3A_12 : i32
    %ne3A = arith.cmpi ne, %sign3A_6, %sign3A_13 : i32
    %rem3A = arith.remsi %add3A, %jit3A : i32
    %ne3A_14 = arith.constant 0 : i32
    %ne3A_15 = arith.cmpi ne, %rem3A, %ne3A_14 : i32
    %and3A = arith.andi %ne3A, %ne3A_15 : i1
    %sub3A = arith.constant 1 : i32
    %sub3A_16 = arith.subi %div3A, %sub3A : i32
    %select_n3A = arith.select %and3A, %sub3A_16, %div3A : i32
    %jit3A_17 = arith.constant 8 : i32
    %eq3A = arith.constant 0 : i32
    %eq3A_18 = arith.cmpi eq, %jit3A_17, %eq3A : i32
    %jit3A_19 = arith.constant 1 : i32
    %select_n3A_20 = arith.select %eq3A_18, %jit3A_19, %jit3A_17 : i32
    %rem3A_21 = arith.remsi %add3A, %select_n3A_20 : i32
    %ne3A_22 = arith.constant 0 : i32
    %ne3A_23 = arith.cmpi ne, %rem3A_21, %ne3A_22 : i32
    %lt3A = arith.constant 0 : i32
    %lt3A_24 = arith.cmpi slt, %rem3A_21, %lt3A : i32
    %lt3A_25 = arith.constant 0 : i32
    %lt3A_26 = arith.cmpi slt, %select_n3A_20, %lt3A_25 : i32
    %ne3A_27 = arith.xori %lt3A_24, %lt3A_26 : i1
    %and3A_28 = arith.andi %ne3A_27, %ne3A_23 : i1
    %add3A_29 = arith.addi %rem3A_21, %select_n3A_20 : i32
    %select_n3A_30 = arith.select %and3A_28, %add3A_29, %rem3A_21 : i32
    %mul3A_31 = arith.constant 256 : i32
    %mul3A_32 = arith.muli %select_n3A_30, %mul3A_31 : i32
    %mul3A_33 = arith.constant 256 : i32
    %mul3A_34 = arith.muli %arg1, %mul3A_33 : i32
    %dma_start3A = arith.constant 0 : i32
    %dma_start3A_35 = tpu.memref_slice %arg9[%mul3A_34, %dma_start3A] : memref<4096x128xf32, #tpu.memory_space<vmem_shared>> -> memref<256x128xf32, #tpu.memory_space<vmem_shared>>
    %dma_start3A_36 = arith.constant 0 : i32
    %dma_start3A_37 = tpu.memref_slice %arg4[%mul3A_32, %dma_start3A_36] : memref<2048x128xf32, #tpu.memory_space<hbm>> -> memref<256x128xf32, #tpu.memory_space<hbm>>
    tpu.enqueue_dma source(%dma_start3A_37 : memref<256x128xf32, #tpu.memory_space<hbm>>) target(%dma_start3A_35 : memref<256x128xf32, #tpu.memory_space<vmem_shared>>) target_semaphore(%arg11 : memref<!tpu.dma_semaphore, #tpu.memory_space<semaphore_mem>>)
    %dma_start3A_38 = tpu.memref_slice %arg2[%select_n3A, %mul3A_32] : memref<4x2048xi32, #tpu.memory_space<hbm>> -> memref<1x256xi32, #tpu.memory_space<hbm>>
    %dma_start3A_39 = tpu.memref_squeeze %dma_start3A_38 : memref<1x256xi32, #tpu.memory_space<hbm>> -> memref<256xi32, #tpu.memory_space<hbm>>
    %dma_start3A_40 = tpu.memref_slice %arg2[%select_n3A, %mul3A_32] : memref<4x2048xi32, #tpu.memory_space<hbm>> -> memref<1x256xi32, #tpu.memory_space<hbm>>
    %dma_start3A_41 = tpu.memref_squeeze %dma_start3A_40 : memref<1x256xi32, #tpu.memory_space<hbm>> -> memref<256xi32, #tpu.memory_space<hbm>>
    tpu.enqueue_dma source(%dma_start3A_41 : memref<256xi32, #tpu.memory_space<hbm>>) target(%arg6 : memref<256xi32, #tpu.memory_space<vmem>>) target_semaphore(%arg10 : memref<!tpu.dma_semaphore, #tpu.memory_space<semaphore_mem>>)
    %iota3A = tpu.iota {dimensions = array<i32: 0>} : vector<16xi32>
    %add3A_42 = arith.constant 0 : i32
    %add3A_43 = arith.addi %mul3A_34, %add3A_42 : i32
    %add3A_44 = arith.constant 0 : i32
    %add3A_45 = arith.addi %add3A_43, %add3A_44 : i32
    %add3A_46 = vector.broadcast %add3A_45 : i32 to vector<16xi32>
    %add3A_47 = arith.addi %iota3A, %add3A_46 : vector<16xi32>
    %swap3A = arith.constant 0 : i32
    %swap3A_48 = arith.index_cast %swap3A : i32 to index
    %swap3A_49 = arith.constant 0 : index
    %swap3A_50 = tpu.vector_load %arg7[%swap3A_48, %swap3A_49] {strides = array<i32>} : memref<4x64xi32, #tpu.memory_space<vmem>>, vector<1x16xi32>,
    %swap3A_51 = vector.shape_cast %swap3A_50 : vector<1x16xi32> to vector<16xi32>
    %swap3A_52 = vector.shape_cast %add3A_47 : vector<16xi32> to vector<1x16xi32>
    tpu.vector_store %arg7[%swap3A_48, %swap3A_49], %swap3A_52 {strides = array<i32>} : memref<4x64xi32, #tpu.memory_space<vmem>>, vector<1x16xi32>,
    %add3A_53 = arith.constant 0 : i32
    %add3A_54 = arith.addi %mul3A_34, %add3A_53 : i32
    %add3A_55 = arith.constant 16 : i32
    %add3A_56 = arith.addi %add3A_54, %add3A_55 : i32
    %add3A_57 = vector.broadcast %add3A_56 : i32 to vector<16xi32>
    %add3A_58 = arith.addi %iota3A, %add3A_57 : vector<16xi32>
    %swap3A_59 = arith.constant 0 : i32
    %swap3A_60 = arith.index_cast %swap3A_59 : i32 to index
    %swap3A_61 = arith.constant 16 : index
    %swap3A_62 = tpu.vector_load %arg7[%swap3A_60, %swap3A_61] {strides = array<i32>} : memref<4x64xi32, #tpu.memory_space<vmem>>, vector<1x16xi32>,
    %swap3A_63 = vector.shape_cast %swap3A_62 : vector<1x16xi32> to vector<16xi32>
    %swap3A_64 = vector.shape_cast %add3A_58 : vector<16xi32> to vector<1x16xi32>
    tpu.vector_store %arg7[%swap3A_60, %swap3A_61], %swap3A_64 {strides = array<i32>} : memref<4x64xi32, #tpu.memory_space<vmem>>, vector<1x16xi32>,
    %add3A_65 = arith.constant 0 : i32
    %add3A_66 = arith.addi %mul3A_34, %add3A_65 : i32
    %add3A_67 = arith.constant 32 : i32
    %add3A_68 = arith.addi %add3A_66, %add3A_67 : i32
    %add3A_69 = vector.broadcast %add3A_68 : i32 to vector<16xi32>
    %add3A_70 = arith.addi %iota3A, %add3A_69 : vector<16xi32>
    %swap3A_71 = arith.constant 0 : i32
    %swap3A_72 = arith.index_cast %swap3A_71 : i32 to index
    %swap3A_73 = arith.constant 32 : index
    %swap3A_74 = tpu.vector_load %arg7[%swap3A_72, %swap3A_73] {strides = array<i32>} : memref<4x64xi32, #tpu.memory_space<vmem>>, vector<1x16xi32>,
    %swap3A_75 = vector.shape_cast %swap3A_74 : vector<1x16xi32> to vector<16xi32>
    %swap3A_76 = vector.shape_cast %add3A_70 : vector<16xi32> to vector<1x16xi32>
    tpu.vector_store %arg7[%swap3A_72, %swap3A_73], %swap3A_76 {strides = array<i32>} : memref<4x64xi32, #tpu.memory_space<vmem>>, vector<1x16xi32>,
    %add3A_77 = arith.constant 0 : i32
    %add3A_78 = arith.addi %mul3A_34, %add3A_77 : i32
    %add3A_79 = arith.constant 48 : i32
    %add3A_80 = arith.addi %add3A_78, %add3A_79 : i32
    %add3A_81 = vector.broadcast %add3A_80 : i32 to vector<16xi32>
    %add3A_82 = arith.addi %iota3A, %add3A_81 : vector<16xi32>
    %swap3A_83 = arith.constant 0 : i32
    %swap3A_84 = arith.index_cast %swap3A_83 : i32 to index
    %swap3A_85 = arith.constant 48 : index
    %swap3A_86 = tpu.vector_load %arg7[%swap3A_84, %swap3A_85] {strides = array<i32>} : memref<4x64xi32, #tpu.memory_space<vmem>>, vector<1x16xi32>,
    %swap3A_87 = vector.shape_cast %swap3A_86 : vector<1x16xi32> to vector<16xi32>
    %swap3A_88 = vector.shape_cast %add3A_82 : vector<16xi32> to vector<1x16xi32>
    tpu.vector_store %arg7[%swap3A_84, %swap3A_85], %swap3A_88 {strides = array<i32>} : memref<4x64xi32, #tpu.memory_space<vmem>>, vector<1x16xi32>,
    %add3A_89 = arith.constant 64 : i32
    %add3A_90 = arith.addi %mul3A_34, %add3A_89 : i32
    %add3A_91 = arith.constant 0 : i32
    %add3A_92 = arith.addi %add3A_90, %add3A_91 : i32
    %add3A_93 = vector.broadcast %add3A_92 : i32 to vector<16xi32>
    %add3A_94 = arith.addi %iota3A, %add3A_93 : vector<16xi32>
    %swap3A_95 = arith.constant 1 : i32
    %swap3A_96 = arith.index_cast %swap3A_95 : i32 to index
    %swap3A_97 = arith.constant 0 : index
    %swap3A_98 = tpu.vector_load %arg7[%swap3A_96, %swap3A_97] {strides = array<i32>} : memref<4x64xi32, #tpu.memory_space<vmem>>, vector<1x16xi32>,
    %swap3A_99 = vector.shape_cast %swap3A_98 : vector<1x16xi32> to vector<16xi32>
    %swap3A_100 = vector.shape_cast %add3A_94 : vector<16xi32> to vector<1x16xi32>
    tpu.vector_store %arg7[%swap3A_96, %swap3A_97], %swap3A_100 {strides = array<i32>} : memref<4x64xi32, #tpu.memory_space<vmem>>, vector<1x16xi32>,
    %add3A_101 = arith.constant 64 : i32
    %add3A_102 = arith.addi %mul3A_34, %add3A_101 : i32
    %add3A_103 = arith.constant 16 : i32
    %add3A_104 = arith.addi %add3A_102, %add3A_103 : i32
    %add3A_105 = vector.broadcast %add3A_104 : i32 to vector<16xi32>
    %add3A_106 = arith.addi %iota3A, %add3A_105 : vector<16xi32>
    %swap3A_107 = arith.constant 1 : i32
    %swap3A_108 = arith.index_cast %swap3A_107 : i32 to index
    %swap3A_109 = arith.constant 16 : index
    %swap3A_110 = tpu.vector_load %arg7[%swap3A_108, %swap3A_109] {strides = array<i32>} : memref<4x64xi32, #tpu.memory_space<vmem>>, vector<1x16xi32>,
    %swap3A_111 = vector.shape_cast %swap3A_110 : vector<1x16xi32> to vector<16xi32>
    %swap3A_112 = vector.shape_cast %add3A_106 : vector<16xi32> to vector<1x16xi32>
    tpu.vector_store %arg7[%swap3A_108, %swap3A_109], %swap3A_112 {strides = array<i32>} : memref<4x64xi32, #tpu.memory_space<vmem>>, vector<1x16xi32>,
    %add3A_113 = arith.constant 64 : i32
    %add3A_114 = arith.addi %mul3A_34, %add3A_113 : i32
    %add3A_115 = arith.constant 32 : i32
    %add3A_116 = arith.addi %add3A_114, %add3A_115 : i32
    %add3A_117 = vector.broadcast %add3A_116 : i32 to vector<16xi32>
    %add3A_118 = arith.addi %iota3A, %add3A_117 : vector<16xi32>
    %swap3A_119 = arith.constant 1 : i32
    %swap3A_120 = arith.index_cast %swap3A_119 : i32 to index
    %swap3A_121 = arith.constant 32 : index
    %swap3A_122 = tpu.vector_load %arg7[%swap3A_120, %swap3A_121] {strides = array<i32>} : memref<4x64xi32, #tpu.memory_space<vmem>>, vector<1x16xi32>,
    %swap3A_123 = vector.shape_cast %swap3A_122 : vector<1x16xi32> to vector<16xi32>
    %swap3A_124 = vector.shape_cast %add3A_118 : vector<16xi32> to vector<1x16xi32>
    tpu.vector_store %arg7[%swap3A_120, %swap3A_121], %swap3A_124 {strides = array<i32>} : memref<4x64xi32, #tpu.memory_space<vmem>>, vector<1x16xi32>,
    %add3A_125 = arith.constant 64 : i32
    %add3A_126 = arith.addi %mul3A_34, %add3A_125 : i32
    %add3A_127 = arith.constant 48 : i32
    %add3A_128 = arith.addi %add3A_126, %add3A_127 : i32
    %add3A_129 = vector.broadcast %add3A_128 : i32 to vector<16xi32>
    %add3A_130 = arith.addi %iota3A, %add3A_129 : vector<16xi32>
    %swap3A_131 = arith.constant 1 : i32
    %swap3A_132 = arith.index_cast %swap3A_131 : i32 to index
    %swap3A_133 = arith.constant 48 : index
    %swap3A_134 = tpu.vector_load %arg7[%swap3A_132, %swap3A_133] {strides = array<i32>} : memref<4x64xi32, #tpu.memory_space<vmem>>, vector<1x16xi32>,
    %swap3A_135 = vector.shape_cast %swap3A_134 : vector<1x16xi32> to vector<16xi32>
    %swap3A_136 = vector.shape_cast %add3A_130 : vector<16xi32> to vector<1x16xi32>
    tpu.vector_store %arg7[%swap3A_132, %swap3A_133], %swap3A_136 {strides = array<i32>} : memref<4x64xi32, #tpu.memory_space<vmem>>, vector<1x16xi32>,
    %add3A_137 = arith.constant 128 : i32
    %add3A_138 = arith.addi %mul3A_34, %add3A_137 : i32
    %add3A_139 = arith.constant 0 : i32
    %add3A_140 = arith.addi %add3A_138, %add3A_139 : i32
    %add3A_141 = vector.broadcast %add3A_140 : i32 to vector<16xi32>
    %add3A_142 = arith.addi %iota3A, %add3A_141 : vector<16xi32>
    %swap3A_143 = arith.constant 2 : i32
    %swap3A_144 = arith.index_cast %swap3A_143 : i32 to index
    %swap3A_145 = arith.constant 0 : index
    %swap3A_146 = tpu.vector_load %arg7[%swap3A_144, %swap3A_145] {strides = array<i32>} : memref<4x64xi32, #tpu.memory_space<vmem>>, vector<1x16xi32>,
    %swap3A_147 = vector.shape_cast %swap3A_146 : vector<1x16xi32> to vector<16xi32>
    %swap3A_148 = vector.shape_cast %add3A_142 : vector<16xi32> to vector<1x16xi32>
    tpu.vector_store %arg7[%swap3A_144, %swap3A_145], %swap3A_148 {strides = array<i32>} : memref<4x64xi32, #tpu.memory_space<vmem>>, vector<1x16xi32>,
    %add3A_149 = arith.constant 128 : i32
    %add3A_150 = arith.addi %mul3A_34, %add3A_149 : i32
    %add3A_151 = arith.constant 16 : i32
    %add3A_152 = arith.addi %add3A_150, %add3A_151 : i32
    %add3A_153 = vector.broadcast %add3A_152 : i32 to vector<16xi32>
    %add3A_154 = arith.addi %iota3A, %add3A_153 : vector<16xi32>
    %swap3A_155 = arith.constant 2 : i32
    %swap3A_156 = arith.index_cast %swap3A_155 : i32 to index
    %swap3A_157 = arith.constant 16 : index
    %swap3A_158 = tpu.vector_load %arg7[%swap3A_156, %swap3A_157] {strides = array<i32>} : memref<4x64xi32, #tpu.memory_space<vmem>>, vector<1x16xi32>,
    %swap3A_159 = vector.shape_cast %swap3A_158 : vector<1x16xi32> to vector<16xi32>
    %swap3A_160 = vector.shape_cast %add3A_154 : vector<16xi32> to vector<1x16xi32>
    tpu.vector_store %arg7[%swap3A_156, %swap3A_157], %swap3A_160 {strides = array<i32>} : memref<4x64xi32, #tpu.memory_space<vmem>>, vector<1x16xi32>,
    %add3A_161 = arith.constant 128 : i32
    %add3A_162 = arith.addi %mul3A_34, %add3A_161 : i32
    %add3A_163 = arith.constant 32 : i32
    %add3A_164 = arith.addi %add3A_162, %add3A_163 : i32
    %add3A_165 = vector.broadcast %add3A_164 : i32 to vector<16xi32>
    %add3A_166 = arith.addi %iota3A, %add3A_165 : vector<16xi32>
    %swap3A_167 = arith.constant 2 : i32
    %swap3A_168 = arith.index_cast %swap3A_167 : i32 to index
    %swap3A_169 = arith.constant 32 : index
    %swap3A_170 = tpu.vector_load %arg7[%swap3A_168, %swap3A_169] {strides = array<i32>} : memref<4x64xi32, #tpu.memory_space<vmem>>, vector<1x16xi32>,
    %swap3A_171 = vector.shape_cast %swap3A_170 : vector<1x16xi32> to vector<16xi32>
    %swap3A_172 = vector.shape_cast %add3A_166 : vector<16xi32> to vector<1x16xi32>
    tpu.vector_store %arg7[%swap3A_168, %swap3A_169], %swap3A_172 {strides = array<i32>} : memref<4x64xi32, #tpu.memory_space<vmem>>, vector<1x16xi32>,
    %add3A_173 = arith.constant 128 : i32
    %add3A_174 = arith.addi %mul3A_34, %add3A_173 : i32
    %add3A_175 = arith.constant 48 : i32
    %add3A_176 = arith.addi %add3A_174, %add3A_175 : i32
    %add3A_177 = vector.broadcast %add3A_176 : i32 to vector<16xi32>
    %add3A_178 = arith.addi %iota3A, %add3A_177 : vector<16xi32>
    %swap3A_179 = arith.constant 2 : i32
    %swap3A_180 = arith.index_cast %swap3A_179 : i32 to index
    %swap3A_181 = arith.constant 48 : index
    %swap3A_182 = tpu.vector_load %arg7[%swap3A_180, %swap3A_181] {strides = array<i32>} : memref<4x64xi32, #tpu.memory_space<vmem>>, vector<1x16xi32>,
    %swap3A_183 = vector.shape_cast %swap3A_182 : vector<1x16xi32> to vector<16xi32>
    %swap3A_184 = vector.shape_cast %add3A_178 : vector<16xi32> to vector<1x16xi32>
    tpu.vector_store %arg7[%swap3A_180, %swap3A_181], %swap3A_184 {strides = array<i32>} : memref<4x64xi32, #tpu.memory_space<vmem>>, vector<1x16xi32>,
    %add3A_185 = arith.constant 192 : i32
    %add3A_186 = arith.addi %mul3A_34, %add3A_185 : i32
    %add3A_187 = arith.constant 0 : i32
    %add3A_188 = arith.addi %add3A_186, %add3A_187 : i32
    %add3A_189 = vector.broadcast %add3A_188 : i32 to vector<16xi32>
    %add3A_190 = arith.addi %iota3A, %add3A_189 : vector<16xi32>
    %swap3A_191 = arith.constant 3 : i32
    %swap3A_192 = arith.index_cast %swap3A_191 : i32 to index
    %swap3A_193 = arith.constant 0 : index
    %swap3A_194 = tpu.vector_load %arg7[%swap3A_192, %swap3A_193] {strides = array<i32>} : memref<4x64xi32, #tpu.memory_space<vmem>>, vector<1x16xi32>,
    %swap3A_195 = vector.shape_cast %swap3A_194 : vector<1x16xi32> to vector<16xi32>
    %swap3A_196 = vector.shape_cast %add3A_190 : vector<16xi32> to vector<1x16xi32>
    tpu.vector_store %arg7[%swap3A_192, %swap3A_193], %swap3A_196 {strides = array<i32>} : memref<4x64xi32, #tpu.memory_space<vmem>>, vector<1x16xi32>,
    %add3A_197 = arith.constant 192 : i32
    %add3A_198 = arith.addi %mul3A_34, %add3A_197 : i32
    %add3A_199 = arith.constant 16 : i32
    %add3A_200 = arith.addi %add3A_198, %add3A_199 : i32
    %add3A_201 = vector.broadcast %add3A_200 : i32 to vector<16xi32>
    %add3A_202 = arith.addi %iota3A, %add3A_201 : vector<16xi32>
    %swap3A_203 = arith.constant 3 : i32
    %swap3A_204 = arith.index_cast %swap3A_203 : i32 to index
    %swap3A_205 = arith.constant 16 : index
    %swap3A_206 = tpu.vector_load %arg7[%swap3A_204, %swap3A_205] {strides = array<i32>} : memref<4x64xi32, #tpu.memory_space<vmem>>, vector<1x16xi32>,
    %swap3A_207 = vector.shape_cast %swap3A_206 : vector<1x16xi32> to vector<16xi32>
    %swap3A_208 = vector.shape_cast %add3A_202 : vector<16xi32> to vector<1x16xi32>
    tpu.vector_store %arg7[%swap3A_204, %swap3A_205], %swap3A_208 {strides = array<i32>} : memref<4x64xi32, #tpu.memory_space<vmem>>, vector<1x16xi32>,
    %add3A_209 = arith.constant 192 : i32
    %add3A_210 = arith.addi %mul3A_34, %add3A_209 : i32
    %add3A_211 = arith.constant 32 : i32
    %add3A_212 = arith.addi %add3A_210, %add3A_211 : i32
    %add3A_213 = vector.broadcast %add3A_212 : i32 to vector<16xi32>
    %add3A_214 = arith.addi %iota3A, %add3A_213 : vector<16xi32>
    %swap3A_215 = arith.constant 3 : i32
    %swap3A_216 = arith.index_cast %swap3A_215 : i32 to index
    %swap3A_217 = arith.constant 32 : index
    %swap3A_218 = tpu.vector_load %arg7[%swap3A_216, %swap3A_217] {strides = array<i32>} : memref<4x64xi32, #tpu.memory_space<vmem>>, vector<1x16xi32>,
    %swap3A_219 = vector.shape_cast %swap3A_218 : vector<1x16xi32> to vector<16xi32>
    %swap3A_220 = vector.shape_cast %add3A_214 : vector<16xi32> to vector<1x16xi32>
    tpu.vector_store %arg7[%swap3A_216, %swap3A_217], %swap3A_220 {strides = array<i32>} : memref<4x64xi32, #tpu.memory_space<vmem>>, vector<1x16xi32>,
    %add3A_221 = arith.constant 192 : i32
    %add3A_222 = arith.addi %mul3A_34, %add3A_221 : i32
    %add3A_223 = arith.constant 48 : i32
    %add3A_224 = arith.addi %add3A_222, %add3A_223 : i32
    %add3A_225 = vector.broadcast %add3A_224 : i32 to vector<16xi32>
    %add3A_226 = arith.addi %iota3A, %add3A_225 : vector<16xi32>
    %swap3A_227 = arith.constant 3 : i32
    %swap3A_228 = arith.index_cast %swap3A_227 : i32 to index
    %swap3A_229 = arith.constant 48 : index
    %swap3A_230 = tpu.vector_load %arg7[%swap3A_228, %swap3A_229] {strides = array<i32>} : memref<4x64xi32, #tpu.memory_space<vmem>>, vector<1x16xi32>,
    %swap3A_231 = vector.shape_cast %swap3A_230 : vector<1x16xi32> to vector<16xi32>
    %swap3A_232 = vector.shape_cast %add3A_226 : vector<16xi32> to vector<1x16xi32>
    tpu.vector_store %arg7[%swap3A_228, %swap3A_229], %swap3A_232 {strides = array<i32>} : memref<4x64xi32, #tpu.memory_space<vmem>>, vector<1x16xi32>,
    %dma_wait3A = tpu.memref_slice %arg2[%select_n3A, %mul3A_32] : memref<4x2048xi32, #tpu.memory_space<hbm>> -> memref<1x256xi32, #tpu.memory_space<hbm>>
    %dma_wait3A_233 = tpu.memref_squeeze %dma_wait3A : memref<1x256xi32, #tpu.memory_space<hbm>> -> memref<256xi32, #tpu.memory_space<hbm>>
    %dma_wait3A_234 = tpu.memref_slice %arg2[%select_n3A, %mul3A_32] : memref<4x2048xi32, #tpu.memory_space<hbm>> -> memref<1x256xi32, #tpu.memory_space<hbm>>
    %dma_wait3A_235 = tpu.memref_squeeze %dma_wait3A_234 : memref<1x256xi32, #tpu.memory_space<hbm>> -> memref<256xi32, #tpu.memory_space<hbm>>
    tpu.wait_dma2 semaphore(%arg10 : memref<!tpu.dma_semaphore, #tpu.memory_space<semaphore_mem>>) src(%dma_wait3A_235 : memref<256xi32, #tpu.memory_space<hbm>>) dst(%arg6 : memref<256xi32, #tpu.memory_space<vmem>>)
    %dma_start3A_236 = arith.constant 0 : i32
    %dma_start3A_237 = arith.constant 0 : i32
    %dma_start3A_238 = tpu.memref_slice %arg8[%dma_start3A_236, %dma_start3A_237] : memref<256x128xf32, #tpu.memory_space<vmem>> -> memref<64x128xf32, #tpu.memory_space<vmem>>
    %dma_start3A_239 = arith.constant 0 : i32
    %dma_start3A_240 = tpu.memref_slice %arg6[%dma_start3A_239] : memref<256xi32, #tpu.memory_space<vmem>> -> memref<64xi32, #tpu.memory_space<vmem>>
    %dma_start3A_241 = arith.constant 0 : i32
    %dma_start3A_242 = arith.constant 0 : i32
    %dma_start3A_243 = tpu.memref_slice %arg3[%dma_start3A_241, %dma_start3A_242] : memref<100000x128xf32, #tpu.memory_space<hbm>> -> memref<100000x128xf32, #tpu.memory_space<hbm>>
    tpu.enqueue_indirect_dma source(%dma_start3A_243 : memref<100000x128xf32, #tpu.memory_space<hbm>>) target(%dma_start3A_238 : memref<64x128xf32, #tpu.memory_space<vmem>>) offsets(%dma_start3A_240 : memref<64xi32, #tpu.memory_space<vmem>>) semaphore(%arg10 : memref<!tpu.dma_semaphore, #tpu.memory_space<semaphore_mem>>)
    %dma_start3A_244 = arith.constant 64 : i32
    %dma_start3A_245 = arith.constant 0 : i32
    %dma_start3A_246 = tpu.memref_slice %arg8[%dma_start3A_244, %dma_start3A_245] : memref<256x128xf32, #tpu.memory_space<vmem>> -> memref<64x128xf32, #tpu.memory_space<vmem>>
    %dma_start3A_247 = arith.constant 64 : i32
    %dma_start3A_248 = tpu.memref_slice %arg6[%dma_start3A_247] : memref<256xi32, #tpu.memory_space<vmem>> -> memref<64xi32, #tpu.memory_space<vmem>>
    %dma_start3A_249 = arith.constant 0 : i32
    %dma_start3A_250 = arith.constant 0 : i32
    %dma_start3A_251 = tpu.memref_slice %arg3[%dma_start3A_249, %dma_start3A_250] : memref<100000x128xf32, #tpu.memory_space<hbm>> -> memref<100000x128xf32, #tpu.memory_space<hbm>>
    tpu.enqueue_indirect_dma source(%dma_start3A_251 : memref<100000x128xf32, #tpu.memory_space<hbm>>) target(%dma_start3A_246 : memref<64x128xf32, #tpu.memory_space<vmem>>) offsets(%dma_start3A_248 : memref<64xi32, #tpu.memory_space<vmem>>) semaphore(%arg10 : memref<!tpu.dma_semaphore, #tpu.memory_space<semaphore_mem>>)
    %dma_start3A_252 = arith.constant 128 : i32
    %dma_start3A_253 = arith.constant 0 : i32
    %dma_start3A_254 = tpu.memref_slice %arg8[%dma_start3A_252, %dma_start3A_253] : memref<256x128xf32, #tpu.memory_space<vmem>> -> memref<64x128xf32, #tpu.memory_space<vmem>>
    %dma_start3A_255 = arith.constant 128 : i32
    %dma_start3A_256 = tpu.memref_slice %arg6[%dma_start3A_255] : memref<256xi32, #tpu.memory_space<vmem>> -> memref<64xi32, #tpu.memory_space<vmem>>
    %dma_start3A_257 = arith.constant 0 : i32
    %dma_start3A_258 = arith.constant 0 : i32
    %dma_start3A_259 = tpu.memref_slice %arg3[%dma_start3A_257, %dma_start3A_258] : memref<100000x128xf32, #tpu.memory_space<hbm>> -> memref<100000x128xf32, #tpu.memory_space<hbm>>
    tpu.enqueue_indirect_dma source(%dma_start3A_259 : memref<100000x128xf32, #tpu.memory_space<hbm>>) target(%dma_start3A_254 : memref<64x128xf32, #tpu.memory_space<vmem>>) offsets(%dma_start3A_256 : memref<64xi32, #tpu.memory_space<vmem>>) semaphore(%arg10 : memref<!tpu.dma_semaphore, #tpu.memory_space<semaphore_mem>>)
    %dma_start3A_260 = arith.constant 192 : i32
    %dma_start3A_261 = arith.constant 0 : i32
    %dma_start3A_262 = tpu.memref_slice %arg8[%dma_start3A_260, %dma_start3A_261] : memref<256x128xf32, #tpu.memory_space<vmem>> -> memref<64x128xf32, #tpu.memory_space<vmem>>
    %dma_start3A_263 = arith.constant 192 : i32
    %dma_start3A_264 = tpu.memref_slice %arg6[%dma_start3A_263] : memref<256xi32, #tpu.memory_space<vmem>> -> memref<64xi32, #tpu.memory_space<vmem>>
    %dma_start3A_265 = arith.constant 0 : i32
    %dma_start3A_266 = arith.constant 0 : i32
    %dma_start3A_267 = tpu.memref_slice %arg3[%dma_start3A_265, %dma_start3A_266] : memref<100000x128xf32, #tpu.memory_space<hbm>> -> memref<100000x128xf32, #tpu.memory_space<hbm>>
    tpu.enqueue_indirect_dma source(%dma_start3A_267 : memref<100000x128xf32, #tpu.memory_space<hbm>>) target(%dma_start3A_262 : memref<64x128xf32, #tpu.memory_space<vmem>>) offsets(%dma_start3A_264 : memref<64xi32, #tpu.memory_space<vmem>>) semaphore(%arg10 : memref<!tpu.dma_semaphore, #tpu.memory_space<semaphore_mem>>)
    %dma_wait3A_268 = arith.constant 0 : i32
    %dma_wait3A_269 = tpu.memref_slice %arg9[%mul3A_34, %dma_wait3A_268] : memref<4096x128xf32, #tpu.memory_space<vmem_shared>> -> memref<256x128xf32, #tpu.memory_space<vmem_shared>>
    %dma_wait3A_270 = arith.constant 0 : i32
    %dma_wait3A_271 = tpu.memref_slice %arg4[%mul3A_32, %dma_wait3A_270] : memref<2048x128xf32, #tpu.memory_space<hbm>> -> memref<256x128xf32, #tpu.memory_space<hbm>>
    tpu.wait_dma2 semaphore(%arg11 : memref<!tpu.dma_semaphore, #tpu.memory_space<semaphore_mem>>) src(%dma_wait3A_271 : memref<256x128xf32, #tpu.memory_space<hbm>>) dst(%dma_wait3A_269 : memref<256x128xf32, #tpu.memory_space<vmem_shared>>)
    %dma_wait3A_272 = arith.constant 0 : i32
    %dma_wait3A_273 = arith.constant 0 : i32
    %dma_wait3A_274 = tpu.memref_slice %arg8[%dma_wait3A_272, %dma_wait3A_273] : memref<256x128xf32, #tpu.memory_space<vmem>> -> memref<64x128xf32, #tpu.memory_space<vmem>>
    %dma_wait3A_275 = arith.constant 0 : i32
    %dma_wait3A_276 = tpu.memref_slice %arg6[%dma_wait3A_275] : memref<256xi32, #tpu.memory_space<vmem>> -> memref<64xi32, #tpu.memory_space<vmem>>
    %dma_wait3A_277 = arith.constant 0 : i32
    %dma_wait3A_278 = arith.constant 0 : i32
    %dma_wait3A_279 = tpu.memref_slice %arg3[%dma_wait3A_277, %dma_wait3A_278] : memref<100000x128xf32, #tpu.memory_space<hbm>> -> memref<100000x128xf32, #tpu.memory_space<hbm>>
    tpu.wait_indirect_dma semaphore(%arg10 : memref<!tpu.dma_semaphore, #tpu.memory_space<semaphore_mem>>) src(%dma_wait3A_279 : memref<100000x128xf32, #tpu.memory_space<hbm>>) dst(%dma_wait3A_274 : memref<64x128xf32, #tpu.memory_space<vmem>>)
    %run_scoped3A = arith.constant 0 : i32
    "tpu.region"() ({
      %run_scoped3A_363 = tpu.sem_alloc : memref<!tpu.dma_semaphore, #tpu.memory_space<semaphore_mem>>
      %dma_start3A_364 = arith.constant 0 : i32
      %dma_start3A_365 = arith.constant 0 : i32
      %dma_start3A_366 = tpu.memref_slice %arg8[%dma_start3A_364, %dma_start3A_365] : memref<256x128xf32, #tpu.memory_space<vmem>> -> memref<64x128xf32, #tpu.memory_space<vmem>>
      %dma_start3A_367 = arith.constant 0 : i32
      %dma_start3A_368 = tpu.memref_slice %arg7[%run_scoped3A, %dma_start3A_367] : memref<4x64xi32, #tpu.memory_space<vmem>> -> memref<1x64xi32, #tpu.memory_space<vmem>>
      %dma_start3A_369 = tpu.memref_squeeze %dma_start3A_368 : memref<1x64xi32, #tpu.memory_space<vmem>> -> memref<64xi32, #tpu.memory_space<vmem>>
      %dma_start3A_370 = arith.constant 0 : i32
      %dma_start3A_371 = arith.constant 0 : i32
      %dma_start3A_372 = tpu.memref_slice %arg9[%dma_start3A_370, %dma_start3A_371] : memref<4096x128xf32, #tpu.memory_space<vmem_shared>> -> memref<4096x128xf32, #tpu.memory_space<vmem_shared>>
      tpu.enqueue_indirect_dma source(%dma_start3A_366 : memref<64x128xf32, #tpu.memory_space<vmem>>) target(%dma_start3A_372 : memref<4096x128xf32, #tpu.memory_space<vmem_shared>>) offsets(%dma_start3A_369 : memref<64xi32, #tpu.memory_space<vmem>>) semaphore(%run_scoped3A_363 : memref<!tpu.dma_semaphore, #tpu.memory_space<semaphore_mem>>) {add = true}
      %dma_wait3A_373 = arith.constant 0 : i32
      %dma_wait3A_374 = arith.constant 0 : i32
      %dma_wait3A_375 = tpu.memref_slice %arg8[%dma_wait3A_373, %dma_wait3A_374] : memref<256x128xf32, #tpu.memory_space<vmem>> -> memref<64x128xf32, #tpu.memory_space<vmem>>
      %dma_wait3A_376 = arith.constant 0 : i32
      %dma_wait3A_377 = tpu.memref_slice %arg7[%run_scoped3A, %dma_wait3A_376] : memref<4x64xi32, #tpu.memory_space<vmem>> -> memref<1x64xi32, #tpu.memory_space<vmem>>
      %dma_wait3A_378 = tpu.memref_squeeze %dma_wait3A_377 : memref<1x64xi32, #tpu.memory_space<vmem>> -> memref<64xi32, #tpu.memory_space<vmem>>
      %dma_wait3A_379 = arith.constant 0 : i32
      %dma_wait3A_380 = arith.constant 0 : i32
      %dma_wait3A_381 = tpu.memref_slice %arg9[%dma_wait3A_379, %dma_wait3A_380] : memref<4096x128xf32, #tpu.memory_space<vmem_shared>> -> memref<4096x128xf32, #tpu.memory_space<vmem_shared>>
      tpu.wait_indirect_dma semaphore(%run_scoped3A_363 : memref<!tpu.dma_semaphore, #tpu.memory_space<semaphore_mem>>) src(%dma_wait3A_375 : memref<64x128xf32, #tpu.memory_space<vmem>>) dst(%dma_wait3A_381 : memref<4096x128xf32, #tpu.memory_space<vmem_shared>>)
      tpu.yield
    }) : () -> ()
    %add3A_280 = arith.constant 0 : i32
    %add3A_281 = arith.addi %mul3A_34, %add3A_280 : i32
    %add3A_282 = arith.constant 0 : i32
    %add3A_283 = arith.addi %mul3A_32, %add3A_282 : i32
    %dma_start3A_284 = arith.constant 0 : i32
    %dma_start3A_285 = tpu.memref_slice %arg5[%select_n3A, %add3A_283, %dma_start3A_284] : memref<4x2048x128xf32, #tpu.memory_space<hbm>> -> memref<1x64x128xf32, #tpu.memory_space<hbm>>
    %dma_start3A_286 = tpu.memref_squeeze %dma_start3A_285 : memref<1x64x128xf32, #tpu.memory_space<hbm>> -> memref<64x128xf32, #tpu.memory_space<hbm>>
    %dma_start3A_287 = arith.constant 0 : i32
    %dma_start3A_288 = tpu.memref_slice %arg9[%add3A_281, %dma_start3A_287] : memref<4096x128xf32, #tpu.memory_space<vmem_shared>> -> memref<64x128xf32, #tpu.memory_space<vmem_shared>>
    tpu.enqueue_dma source(%dma_start3A_288 : memref<64x128xf32, #tpu.memory_space<vmem_shared>>) target(%dma_start3A_286 : memref<64x128xf32, #tpu.memory_space<hbm>>) target_semaphore(%arg12 : memref<!tpu.dma_semaphore, #tpu.memory_space<semaphore_mem>>)
    %dma_wait3A_289 = arith.constant 64 : i32
    %dma_wait3A_290 = arith.constant 0 : i32
    %dma_wait3A_291 = tpu.memref_slice %arg8[%dma_wait3A_289, %dma_wait3A_290] : memref<256x128xf32, #tpu.memory_space<vmem>> -> memref<64x128xf32, #tpu.memory_space<vmem>>
    %dma_wait3A_292 = arith.constant 64 : i32
    %dma_wait3A_293 = tpu.memref_slice %arg6[%dma_wait3A_292] : memref<256xi32, #tpu.memory_space<vmem>> -> memref<64xi32, #tpu.memory_space<vmem>>
    %dma_wait3A_294 = arith.constant 0 : i32
    %dma_wait3A_295 = arith.constant 0 : i32
    %dma_wait3A_296 = tpu.memref_slice %arg3[%dma_wait3A_294, %dma_wait3A_295] : memref<100000x128xf32, #tpu.memory_space<hbm>> -> memref<100000x128xf32, #tpu.memory_space<hbm>>
    tpu.wait_indirect_dma semaphore(%arg10 : memref<!tpu.dma_semaphore, #tpu.memory_space<semaphore_mem>>) src(%dma_wait3A_296 : memref<100000x128xf32, #tpu.memory_space<hbm>>) dst(%dma_wait3A_291 : memref<64x128xf32, #tpu.memory_space<vmem>>)
    %run_scoped3A_297 = arith.constant 1 : i32
    "tpu.region"() ({
      %run_scoped3A_363 = tpu.sem_alloc : memref<!tpu.dma_semaphore, #tpu.memory_space<semaphore_mem>>
      %dma_start3A_364 = arith.constant 64 : i32
      %dma_start3A_365 = arith.constant 0 : i32
      %dma_start3A_366 = tpu.memref_slice %arg8[%dma_start3A_364, %dma_start3A_365] : memref<256x128xf32, #tpu.memory_space<vmem>> -> memref<64x128xf32, #tpu.memory_space<vmem>>
      %dma_start3A_367 = arith.constant 0 : i32
      %dma_start3A_368 = tpu.memref_slice %arg7[%run_scoped3A_297, %dma_start3A_367] : memref<4x64xi32, #tpu.memory_space<vmem>> -> memref<1x64xi32, #tpu.memory_space<vmem>>
      %dma_start3A_369 = tpu.memref_squeeze %dma_start3A_368 : memref<1x64xi32, #tpu.memory_space<vmem>> -> memref<64xi32, #tpu.memory_space<vmem>>
      %dma_start3A_370 = arith.constant 0 : i32
      %dma_start3A_371 = arith.constant 0 : i32
      %dma_start3A_372 = tpu.memref_slice %arg9[%dma_start3A_370, %dma_start3A_371] : memref<4096x128xf32, #tpu.memory_space<vmem_shared>> -> memref<4096x128xf32, #tpu.memory_space<vmem_shared>>
      tpu.enqueue_indirect_dma source(%dma_start3A_366 : memref<64x128xf32, #tpu.memory_space<vmem>>) target(%dma_start3A_372 : memref<4096x128xf32, #tpu.memory_space<vmem_shared>>) offsets(%dma_start3A_369 : memref<64xi32, #tpu.memory_space<vmem>>) semaphore(%run_scoped3A_363 : memref<!tpu.dma_semaphore, #tpu.memory_space<semaphore_mem>>) {add = true}
      %dma_wait3A_373 = arith.constant 64 : i32
      %dma_wait3A_374 = arith.constant 0 : i32
      %dma_wait3A_375 = tpu.memref_slice %arg8[%dma_wait3A_373, %dma_wait3A_374] : memref<256x128xf32, #tpu.memory_space<vmem>> -> memref<64x128xf32, #tpu.memory_space<vmem>>
      %dma_wait3A_376 = arith.constant 0 : i32
      %dma_wait3A_377 = tpu.memref_slice %arg7[%run_scoped3A_297, %dma_wait3A_376] : memref<4x64xi32, #tpu.memory_space<vmem>> -> memref<1x64xi32, #tpu.memory_space<vmem>>
      %dma_wait3A_378 = tpu.memref_squeeze %dma_wait3A_377 : memref<1x64xi32, #tpu.memory_space<vmem>> -> memref<64xi32, #tpu.memory_space<vmem>>
      %dma_wait3A_379 = arith.constant 0 : i32
      %dma_wait3A_380 = arith.constant 0 : i32
      %dma_wait3A_381 = tpu.memref_slice %arg9[%dma_wait3A_379, %dma_wait3A_380] : memref<4096x128xf32, #tpu.memory_space<vmem_shared>> -> memref<4096x128xf32, #tpu.memory_space<vmem_shared>>
      tpu.wait_indirect_dma semaphore(%run_scoped3A_363 : memref<!tpu.dma_semaphore, #tpu.memory_space<semaphore_mem>>) src(%dma_wait3A_375 : memref<64x128xf32, #tpu.memory_space<vmem>>) dst(%dma_wait3A_381 : memref<4096x128xf32, #tpu.memory_space<vmem_shared>>)
      tpu.yield
    }) : () -> ()
    %add3A_298 = arith.constant 64 : i32
    %add3A_299 = arith.addi %mul3A_34, %add3A_298 : i32
    %add3A_300 = arith.constant 64 : i32
    %add3A_301 = arith.addi %mul3A_32, %add3A_300 : i32
    %dma_start3A_302 = arith.constant 0 : i32
    %dma_start3A_303 = tpu.memref_slice %arg5[%select_n3A, %add3A_301, %dma_start3A_302] : memref<4x2048x128xf32, #tpu.memory_space<hbm>> -> memref<1x64x128xf32, #tpu.memory_space<hbm>>
    %dma_start3A_304 = tpu.memref_squeeze %dma_start3A_303 : memref<1x64x128xf32, #tpu.memory_space<hbm>> -> memref<64x128xf32, #tpu.memory_space<hbm>>
    %dma_start3A_305 = arith.constant 0 : i32
    %dma_start3A_306 = tpu.memref_slice %arg9[%add3A_299, %dma_start3A_305] : memref<4096x128xf32, #tpu.memory_space<vmem_shared>> -> memref<64x128xf32, #tpu.memory_space<vmem_shared>>
    tpu.enqueue_dma source(%dma_start3A_306 : memref<64x128xf32, #tpu.memory_space<vmem_shared>>) target(%dma_start3A_304 : memref<64x128xf32, #tpu.memory_space<hbm>>) target_semaphore(%arg12 : memref<!tpu.dma_semaphore, #tpu.memory_space<semaphore_mem>>)
    %dma_wait3A_307 = arith.constant 128 : i32
    %dma_wait3A_308 = arith.constant 0 : i32
    %dma_wait3A_309 = tpu.memref_slice %arg8[%dma_wait3A_307, %dma_wait3A_308] : memref<256x128xf32, #tpu.memory_space<vmem>> -> memref<64x128xf32, #tpu.memory_space<vmem>>
    %dma_wait3A_310 = arith.constant 128 : i32
    %dma_wait3A_311 = tpu.memref_slice %arg6[%dma_wait3A_310] : memref<256xi32, #tpu.memory_space<vmem>> -> memref<64xi32, #tpu.memory_space<vmem>>
    %dma_wait3A_312 = arith.constant 0 : i32
    %dma_wait3A_313 = arith.constant 0 : i32
    %dma_wait3A_314 = tpu.memref_slice %arg3[%dma_wait3A_312, %dma_wait3A_313] : memref<100000x128xf32, #tpu.memory_space<hbm>> -> memref<100000x128xf32, #tpu.memory_space<hbm>>
    tpu.wait_indirect_dma semaphore(%arg10 : memref<!tpu.dma_semaphore, #tpu.memory_space<semaphore_mem>>) src(%dma_wait3A_314 : memref<100000x128xf32, #tpu.memory_space<hbm>>) dst(%dma_wait3A_309 : memref<64x128xf32, #tpu.memory_space<vmem>>)
    %run_scoped3A_315 = arith.constant 2 : i32
    "tpu.region"() ({
      %run_scoped3A_363 = tpu.sem_alloc : memref<!tpu.dma_semaphore, #tpu.memory_space<semaphore_mem>>
      %dma_start3A_364 = arith.constant 128 : i32
      %dma_start3A_365 = arith.constant 0 : i32
      %dma_start3A_366 = tpu.memref_slice %arg8[%dma_start3A_364, %dma_start3A_365] : memref<256x128xf32, #tpu.memory_space<vmem>> -> memref<64x128xf32, #tpu.memory_space<vmem>>
      %dma_start3A_367 = arith.constant 0 : i32
      %dma_start3A_368 = tpu.memref_slice %arg7[%run_scoped3A_315, %dma_start3A_367] : memref<4x64xi32, #tpu.memory_space<vmem>> -> memref<1x64xi32, #tpu.memory_space<vmem>>
      %dma_start3A_369 = tpu.memref_squeeze %dma_start3A_368 : memref<1x64xi32, #tpu.memory_space<vmem>> -> memref<64xi32, #tpu.memory_space<vmem>>
      %dma_start3A_370 = arith.constant 0 : i32
      %dma_start3A_371 = arith.constant 0 : i32
      %dma_start3A_372 = tpu.memref_slice %arg9[%dma_start3A_370, %dma_start3A_371] : memref<4096x128xf32, #tpu.memory_space<vmem_shared>> -> memref<4096x128xf32, #tpu.memory_space<vmem_shared>>
      tpu.enqueue_indirect_dma source(%dma_start3A_366 : memref<64x128xf32, #tpu.memory_space<vmem>>) target(%dma_start3A_372 : memref<4096x128xf32, #tpu.memory_space<vmem_shared>>) offsets(%dma_start3A_369 : memref<64xi32, #tpu.memory_space<vmem>>) semaphore(%run_scoped3A_363 : memref<!tpu.dma_semaphore, #tpu.memory_space<semaphore_mem>>) {add = true}
      %dma_wait3A_373 = arith.constant 128 : i32
      %dma_wait3A_374 = arith.constant 0 : i32
      %dma_wait3A_375 = tpu.memref_slice %arg8[%dma_wait3A_373, %dma_wait3A_374] : memref<256x128xf32, #tpu.memory_space<vmem>> -> memref<64x128xf32, #tpu.memory_space<vmem>>
      %dma_wait3A_376 = arith.constant 0 : i32
      %dma_wait3A_377 = tpu.memref_slice %arg7[%run_scoped3A_315, %dma_wait3A_376] : memref<4x64xi32, #tpu.memory_space<vmem>> -> memref<1x64xi32, #tpu.memory_space<vmem>>
      %dma_wait3A_378 = tpu.memref_squeeze %dma_wait3A_377 : memref<1x64xi32, #tpu.memory_space<vmem>> -> memref<64xi32, #tpu.memory_space<vmem>>
      %dma_wait3A_379 = arith.constant 0 : i32
      %dma_wait3A_380 = arith.constant 0 : i32
      %dma_wait3A_381 = tpu.memref_slice %arg9[%dma_wait3A_379, %dma_wait3A_380] : memref<4096x128xf32, #tpu.memory_space<vmem_shared>> -> memref<4096x128xf32, #tpu.memory_space<vmem_shared>>
      tpu.wait_indirect_dma semaphore(%run_scoped3A_363 : memref<!tpu.dma_semaphore, #tpu.memory_space<semaphore_mem>>) src(%dma_wait3A_375 : memref<64x128xf32, #tpu.memory_space<vmem>>) dst(%dma_wait3A_381 : memref<4096x128xf32, #tpu.memory_space<vmem_shared>>)
      tpu.yield
    }) : () -> ()
    %add3A_316 = arith.constant 128 : i32
    %add3A_317 = arith.addi %mul3A_34, %add3A_316 : i32
    %add3A_318 = arith.constant 128 : i32
    %add3A_319 = arith.addi %mul3A_32, %add3A_318 : i32
    %dma_start3A_320 = arith.constant 0 : i32
    %dma_start3A_321 = tpu.memref_slice %arg5[%select_n3A, %add3A_319, %dma_start3A_320] : memref<4x2048x128xf32, #tpu.memory_space<hbm>> -> memref<1x64x128xf32, #tpu.memory_space<hbm>>
    %dma_start3A_322 = tpu.memref_squeeze %dma_start3A_321 : memref<1x64x128xf32, #tpu.memory_space<hbm>> -> memref<64x128xf32, #tpu.memory_space<hbm>>
    %dma_start3A_323 = arith.constant 0 : i32
    %dma_start3A_324 = tpu.memref_slice %arg9[%add3A_317, %dma_start3A_323] : memref<4096x128xf32, #tpu.memory_space<vmem_shared>> -> memref<64x128xf32, #tpu.memory_space<vmem_shared>>
    tpu.enqueue_dma source(%dma_start3A_324 : memref<64x128xf32, #tpu.memory_space<vmem_shared>>) target(%dma_start3A_322 : memref<64x128xf32, #tpu.memory_space<hbm>>) target_semaphore(%arg12 : memref<!tpu.dma_semaphore, #tpu.memory_space<semaphore_mem>>)
    %dma_wait3A_325 = arith.constant 192 : i32
    %dma_wait3A_326 = arith.constant 0 : i32
    %dma_wait3A_327 = tpu.memref_slice %arg8[%dma_wait3A_325, %dma_wait3A_326] : memref<256x128xf32, #tpu.memory_space<vmem>> -> memref<64x128xf32, #tpu.memory_space<vmem>>
    %dma_wait3A_328 = arith.constant 192 : i32
    %dma_wait3A_329 = tpu.memref_slice %arg6[%dma_wait3A_328] : memref<256xi32, #tpu.memory_space<vmem>> -> memref<64xi32, #tpu.memory_space<vmem>>
    %dma_wait3A_330 = arith.constant 0 : i32
    %dma_wait3A_331 = arith.constant 0 : i32
    %dma_wait3A_332 = tpu.memref_slice %arg3[%dma_wait3A_330, %dma_wait3A_331] : memref<100000x128xf32, #tpu.memory_space<hbm>> -> memref<100000x128xf32, #tpu.memory_space<hbm>>
    tpu.wait_indirect_dma semaphore(%arg10 : memref<!tpu.dma_semaphore, #tpu.memory_space<semaphore_mem>>) src(%dma_wait3A_332 : memref<100000x128xf32, #tpu.memory_space<hbm>>) dst(%dma_wait3A_327 : memref<64x128xf32, #tpu.memory_space<vmem>>)
    %run_scoped3A_333 = arith.constant 3 : i32
    "tpu.region"() ({
      %run_scoped3A_363 = tpu.sem_alloc : memref<!tpu.dma_semaphore, #tpu.memory_space<semaphore_mem>>
      %dma_start3A_364 = arith.constant 192 : i32
      %dma_start3A_365 = arith.constant 0 : i32
      %dma_start3A_366 = tpu.memref_slice %arg8[%dma_start3A_364, %dma_start3A_365] : memref<256x128xf32, #tpu.memory_space<vmem>> -> memref<64x128xf32, #tpu.memory_space<vmem>>
      %dma_start3A_367 = arith.constant 0 : i32
      %dma_start3A_368 = tpu.memref_slice %arg7[%run_scoped3A_333, %dma_start3A_367] : memref<4x64xi32, #tpu.memory_space<vmem>> -> memref<1x64xi32, #tpu.memory_space<vmem>>
      %dma_start3A_369 = tpu.memref_squeeze %dma_start3A_368 : memref<1x64xi32, #tpu.memory_space<vmem>> -> memref<64xi32, #tpu.memory_space<vmem>>
      %dma_start3A_370 = arith.constant 0 : i32
      %dma_start3A_371 = arith.constant 0 : i32
      %dma_start3A_372 = tpu.memref_slice %arg9[%dma_start3A_370, %dma_start3A_371] : memref<4096x128xf32, #tpu.memory_space<vmem_shared>> -> memref<4096x128xf32, #tpu.memory_space<vmem_shared>>
      tpu.enqueue_indirect_dma source(%dma_start3A_366 : memref<64x128xf32, #tpu.memory_space<vmem>>) target(%dma_start3A_372 : memref<4096x128xf32, #tpu.memory_space<vmem_shared>>) offsets(%dma_start3A_369 : memref<64xi32, #tpu.memory_space<vmem>>) semaphore(%run_scoped3A_363 : memref<!tpu.dma_semaphore, #tpu.memory_space<semaphore_mem>>) {add = true}
      %dma_wait3A_373 = arith.constant 192 : i32
      %dma_wait3A_374 = arith.constant 0 : i32
      %dma_wait3A_375 = tpu.memref_slice %arg8[%dma_wait3A_373, %dma_wait3A_374] : memref<256x128xf32, #tpu.memory_space<vmem>> -> memref<64x128xf32, #tpu.memory_space<vmem>>
      %dma_wait3A_376 = arith.constant 0 : i32
      %dma_wait3A_377 = tpu.memref_slice %arg7[%run_scoped3A_333, %dma_wait3A_376] : memref<4x64xi32, #tpu.memory_space<vmem>> -> memref<1x64xi32, #tpu.memory_space<vmem>>
      %dma_wait3A_378 = tpu.memref_squeeze %dma_wait3A_377 : memref<1x64xi32, #tpu.memory_space<vmem>> -> memref<64xi32, #tpu.memory_space<vmem>>
      %dma_wait3A_379 = arith.constant 0 : i32
      %dma_wait3A_380 = arith.constant 0 : i32
      %dma_wait3A_381 = tpu.memref_slice %arg9[%dma_wait3A_379, %dma_wait3A_380] : memref<4096x128xf32, #tpu.memory_space<vmem_shared>> -> memref<4096x128xf32, #tpu.memory_space<vmem_shared>>
      tpu.wait_indirect_dma semaphore(%run_scoped3A_363 : memref<!tpu.dma_semaphore, #tpu.memory_space<semaphore_mem>>) src(%dma_wait3A_375 : memref<64x128xf32, #tpu.memory_space<vmem>>) dst(%dma_wait3A_381 : memref<4096x128xf32, #tpu.memory_space<vmem_shared>>)
      tpu.yield
    }) : () -> ()
    %add3A_334 = arith.constant 192 : i32
    %add3A_335 = arith.addi %mul3A_34, %add3A_334 : i32
    %add3A_336 = arith.constant 192 : i32
    %add3A_337 = arith.addi %mul3A_32, %add3A_336 : i32
    %dma_start3A_338 = arith.constant 0 : i32
    %dma_start3A_339 = tpu.memref_slice %arg5[%select_n3A, %add3A_337, %dma_start3A_338] : memref<4x2048x128xf32, #tpu.memory_space<hbm>> -> memref<1x64x128xf32, #tpu.memory_space<hbm>>
    %dma_start3A_340 = tpu.memref_squeeze %dma_start3A_339 : memref<1x64x128xf32, #tpu.memory_space<hbm>> -> memref<64x128xf32, #tpu.memory_space<hbm>>
    %dma_start3A_341 = arith.constant 0 : i32
    %dma_start3A_342 = tpu.memref_slice %arg9[%add3A_335, %dma_start3A_341] : memref<4096x128xf32, #tpu.memory_space<vmem_shared>> -> memref<64x128xf32, #tpu.memory_space<vmem_shared>>
    tpu.enqueue_dma source(%dma_start3A_342 : memref<64x128xf32, #tpu.memory_space<vmem_shared>>) target(%dma_start3A_340 : memref<64x128xf32, #tpu.memory_space<hbm>>) target_semaphore(%arg12 : memref<!tpu.dma_semaphore, #tpu.memory_space<semaphore_mem>>)
    %dma_wait3A_343 = arith.constant 0 : i32
    %dma_wait3A_344 = tpu.memref_slice %arg5[%select_n3A, %add3A_283, %dma_wait3A_343] : memref<4x2048x128xf32, #tpu.memory_space<hbm>> -> memref<1x64x128xf32, #tpu.memory_space<hbm>>
    %dma_wait3A_345 = tpu.memref_squeeze %dma_wait3A_344 : memref<1x64x128xf32, #tpu.memory_space<hbm>> -> memref<64x128xf32, #tpu.memory_space<hbm>>
    %dma_wait3A_346 = arith.constant 0 : i32
    %dma_wait3A_347 = tpu.memref_slice %arg9[%add3A_281, %dma_wait3A_346] : memref<4096x128xf32, #tpu.memory_space<vmem_shared>> -> memref<64x128xf32, #tpu.memory_space<vmem_shared>>
    tpu.wait_dma2 semaphore(%arg12 : memref<!tpu.dma_semaphore, #tpu.memory_space<semaphore_mem>>) src(%dma_wait3A_347 : memref<64x128xf32, #tpu.memory_space<vmem_shared>>) dst(%dma_wait3A_345 : memref<64x128xf32, #tpu.memory_space<hbm>>)
    %dma_wait3A_348 = arith.constant 0 : i32
    %dma_wait3A_349 = tpu.memref_slice %arg5[%select_n3A, %add3A_301, %dma_wait3A_348] : memref<4x2048x128xf32, #tpu.memory_space<hbm>> -> memref<1x64x128xf32, #tpu.memory_space<hbm>>
    %dma_wait3A_350 = tpu.memref_squeeze %dma_wait3A_349 : memref<1x64x128xf32, #tpu.memory_space<hbm>> -> memref<64x128xf32, #tpu.memory_space<hbm>>
    %dma_wait3A_351 = arith.constant 0 : i32
    %dma_wait3A_352 = tpu.memref_slice %arg9[%add3A_299, %dma_wait3A_351] : memref<4096x128xf32, #tpu.memory_space<vmem_shared>> -> memref<64x128xf32, #tpu.memory_space<vmem_shared>>
    tpu.wait_dma2 semaphore(%arg12 : memref<!tpu.dma_semaphore, #tpu.memory_space<semaphore_mem>>) src(%dma_wait3A_352 : memref<64x128xf32, #tpu.memory_space<vmem_shared>>) dst(%dma_wait3A_350 : memref<64x128xf32, #tpu.memory_space<hbm>>)
    %dma_wait3A_353 = arith.constant 0 : i32
    %dma_wait3A_354 = tpu.memref_slice %arg5[%select_n3A, %add3A_319, %dma_wait3A_353] : memref<4x2048x128xf32, #tpu.memory_space<hbm>> -> memref<1x64x128xf32, #tpu.memory_space<hbm>>
    %dma_wait3A_355 = tpu.memref_squeeze %dma_wait3A_354 : memref<1x64x128xf32, #tpu.memory_space<hbm>> -> memref<64x128xf32, #tpu.memory_space<hbm>>
    %dma_wait3A_356 = arith.constant 0 : i32
    %dma_wait3A_357 = tpu.memref_slice %arg9[%add3A_317, %dma_wait3A_356] : memref<4096x128xf32, #tpu.memory_space<vmem_shared>> -> memref<64x128xf32, #tpu.memory_space<vmem_shared>>
    tpu.wait_dma2 semaphore(%arg12 : memref<!tpu.dma_semaphore, #tpu.memory_space<semaphore_mem>>) src(%dma_wait3A_357 : memref<64x128xf32, #tpu.memory_space<vmem_shared>>) dst(%dma_wait3A_355 : memref<64x128xf32, #tpu.memory_space<hbm>>)
    %dma_wait3A_358 = arith.constant 0 : i32
    %dma_wait3A_359 = tpu.memref_slice %arg5[%select_n3A, %add3A_337, %dma_wait3A_358] : memref<4x2048x128xf32, #tpu.memory_space<hbm>> -> memref<1x64x128xf32, #tpu.memory_space<hbm>>
    %dma_wait3A_360 = tpu.memref_squeeze %dma_wait3A_359 : memref<1x64x128xf32, #tpu.memory_space<hbm>> -> memref<64x128xf32, #tpu.memory_space<hbm>>
    %dma_wait3A_361 = arith.constant 0 : i32
    %dma_wait3A_362 = tpu.memref_slice %arg9[%add3A_335, %dma_wait3A_361] : memref<4096x128xf32, #tpu.memory_space<vmem_shared>> -> memref<64x128xf32, #tpu.memory_space<vmem_shared>>
    tpu.wait_dma2 semaphore(%arg12 : memref<!tpu.dma_semaphore, #tpu.memory_space<semaphore_mem>>) src(%dma_wait3A_362 : memref<64x128xf32, #tpu.memory_space<vmem_shared>>) dst(%dma_wait3A_360 : memref<64x128xf32, #tpu.memory_space<hbm>>)
    return
  }
}

</mosaic_0001>

<sc_bundles>
// kernel: kernel.3.cloned.1.call-start
scs
__scs_entry_jumppad:
0x0: {  	(pc) =	sbr.rel $0x88, $3  }
0x1: {  	(tag) =	ssettag $0x0;
	lr =	simm.s32 $0x1  }
0x2: {  	[smem:$0x3F9E] =	sst lr;
	_ =	strace $0xD0000000  }
0x3: {  	_ = 	snop  }
0x4: {  	_ = 	snop  }
0x5: {  	_ = 	snop  }
0x6: {  	_ = 	snop  }
0x7: {  	_ = 	snop  }
__scs_overlays_trampoline_lowered:
0x8: {  	[smem:$0x3FAD] =	sst s0  }
0x9: {  	[smem:$0x3FAE] =	sst s1  }
0xa: {  	[smem:$0x3FAF] =	sst s2  }
0xb: {  	[smem:$0x3FB0] =	sst s3  }
0xc: {  	[smem:$0x3FB1] =	sst s4  }
0xd: {  	[smem:$0x3FB2] =	sst s5  }
0xe: {  	[smem:$0x3FB3] =	sst s6  }
0xf: {  	[smem:$0x3FB4] =	sst s7  }
0x10: {  	[smem:$0x3FB5] =	sst s8  }
0x11: {  	[smem:$0x3FB6] =	sst s9;
	s0 =	simm.s32 @!p0 $0x0  }
0x12: {  	s1 =	sld [smem:$0x3F9C];
	s0 =	simm.s32 @p0 $0x1  }
0x13: {  	[smem:$0x3FB7] =	sst s0;
	s0 =	simm.s32 @!p1 $0x0  }
0x14: {  	s2 =	sld [smem:$0x3F9B];
	s0 =	simm.s32 @p1 $0x1  }
0x15: {  	[smem:$0x3FB8] =	sst s0;
	s0 =	simm.s32 @!p2 $0x0  }
0x16: {  	s3 =	sld [smem:$0x3FDB];
	s0 =	simm.s32 @p2 $0x1  }
0x17: {  	s4 =	simm.s32 $0x1BF5;
	[smem:$0x3FBA] =	sst s0  }
0x18: {  	s0 =	sld [smem:$0x3F9D];
	_ =	swait.ge [sflag:s4], $0x0  }
0x19: {  	s7 =	sld [smem:$0x3F9E]  }
0x1a: {  	s8 =	sadd.s32 $0xFFFFE003, lr  }
0x1b: {  	s9 =	sadd.s32 $0xFFFFFEF7, lr;
	s5 =	simm.s32 $0xFFFFFFFF;
	p2 =	slt.u32 s8, $0xFFFFF086  }
0x1c: {  	p1 =	slt.u32 s9, $0xF7A;
	s5 =	simm.s32 @!p2 $0x0  }
0x1d: {  	s5 =	simm.s32 @p1 $0x1;
	p0 =	seq.s32 s7, s2  }
0x1e: {  	s7 =	smul.u32 @!p0 $0xF7A, s2;
	p2 =	seq.s32 @!p0 s5, $0x0  }
0x1f: {  	s9 =	smul.u32 $0xF7A, s1;
	s8 =	simm.s32 @!p0 $0x1BF5;
	p2 =	por !p2, p0  }
0x20: {  	[sflag:s8] =	ssyncset.s32 @!p0 $0xFFFFF086;
	s6 =	sadd.s32 @!p0 s3, s7;
	s7 =	simm.s32 @!p0 $0x108  }
0x21: {  	s3 =	sadd.s32 s3, s9;
	s6 =	sadd.s32 @!p0 $0x88, s6;
	s7 =	simm.s32 @p2 $0x1082  }
0x22: {  	[simem:s7], [sflag:s8] =	dma.local @!p0 [hbm:s6], $0xF7A  }
0x23: {  	s9 =	sor.u32 $0xD0000000, s2;
	s6 =	simm.s32 $0x108;
	_ =	swait.ge @!p0 [sflag:s8], $0x0  }
0x24: {  	s3 =	sadd.s32 $0x88, s3;
	s6 =	simm.s32 @!p1 $0x1082;
	[sflag:s4] =	ssyncset.s32 $0xFFFFF086  }
0x25: {  	[simem:s6], [sflag:s4] =	dma.local [hbm:s3], $0xF7A  }
0x26: {  	[smem:$0x3F9E] =	sst s1;
	(tag) =	ssettag s2;
	_ =	strace s9  }
0x27: {  	s1 =	sld [smem:$0x3FAE]  }
0x28: {  	s2 =	sld [smem:$0x3FAF]  }
0x29: {  	s4 =	sld [smem:$0x3FB1]  }
0x2a: {  	p0 =	seq.s32 s5, $0x0;
	s5 =	sld [smem:$0x3FB2]  }
0x2b: {  	s6 =	sld [smem:$0x3FB3]  }
0x2c: {  	s7 =	sld [smem:$0x3FB4]  }
0x2d: {  	s3 =	simm.s32 $0x108;
	s8 =	sld [smem:$0x3FB5]  }
0x2e: {  	s3 =	simm.s32 @!p0 $0x1082;
	s9 =	sld [smem:$0x3FB6]  }
0x2f: {  	lr =	sadd.s32 s0, s3;
	s0 =	sld [smem:$0x3FAD]  }
0x30: {  	s3 =	sld [smem:$0x3FB0]  }
0x31: {  	[smem:$0x3FB9] =	sst s10  }
0x32: {  	s10 =	sld [smem:$0x3FB7];
	_ =	sdelay $0x3  }
0x33: {  	p0 =	seq.s32 s10, $0x1;
	s10 =	sld [smem:$0x3FB9];
	_ =	sdelay $0x3  }
0x34: {  	[smem:$0x3FB9] =	sst s10  }
0x35: {  	s10 =	sld [smem:$0x3FB8];
	_ =	sdelay $0x3  }
0x36: {  	p1 =	seq.s32 s10, $0x1;
	s10 =	sld [smem:$0x3FB9];
	_ =	sdelay $0x3  }
0x37: {  	[smem:$0x3FB9] =	sst s10  }
0x38: {  	s10 =	sld [smem:$0x3FBA]  }
0x39: {  	_ = 	snop;
	(pc) =	sbr.ind lr, $3  }
0x3a: {  	_ = 	snop  }
0x3b: {  	_ = 	snop  }
0x3c: {  	p2 =	seq.s32 s10, $0x1;
	s10 =	sld [smem:$0x3FB9]  }
0x3d: {  	_ =	shalt  }
0x3e: {  	_ =	shalt  }
0x3f: {  	_ =	shalt  }
0x40: {  	_ =	shalt  }
0x41: {  	_ =	shalt  }
0x42: {  	_ =	shalt  }
0x43: {  	_ =	shalt  }
0x44: {  	_ =	shalt  }
0x45: {  	_ =	shalt  }
0x46: {  	_ =	shalt  }
0x47: {  	_ =	shalt  }
0x48: {  	_ =	shalt  }
0x49: {  	_ =	shalt  }
0x4a: {  	_ =	shalt  }
0x4b: {  	_ =	shalt  }
0x4c: {  	_ =	shalt  }
0x4d: {  	_ =	shalt  }
0x4e: {  	_ =	shalt  }
0x4f: {  	_ =	shalt  }
0x50: {  	_ =	shalt  }
0x51: {  	_ =	shalt  }
0x52: {  	_ =	shalt  }
0x53: {  	_ =	shalt  }
0x54: {  	_ =	shalt  }
0x55: {  	_ =	shalt  }
0x56: {  	_ =	shalt  }
0x57: {  	_ =	shalt  }
0x58: {  	_ =	shalt  }
0x59: {  	_ =	shalt  }
0x5a: {  	_ =	shalt  }
0x5b: {  	_ =	shalt  }
0x5c: {  	_ =	shalt  }
0x5d: {  	_ =	shalt  }
0x5e: {  	_ =	shalt  }
0x5f: {  	_ =	shalt  }
0x60: {  	_ =	shalt  }
0x61: {  	_ =	shalt  }
0x62: {  	_ =	shalt  }
0x63: {  	_ =	shalt  }
0x64: {  	_ =	shalt  }
0x65: {  	_ =	shalt  }
0x66: {  	_ =	shalt  }
0x67: {  	_ =	shalt  }
0x68: {  	_ =	shalt  }
0x69: {  	_ =	shalt  }
0x6a: {  	_ =	shalt  }
0x6b: {  	_ =	shalt  }
0x6c: {  	_ =	shalt  }
0x6d: {  	_ =	shalt  }
0x6e: {  	_ =	shalt  }
0x6f: {  	_ =	shalt  }
0x70: {  	_ =	shalt  }
0x71: {  	_ =	shalt  }
0x72: {  	_ =	shalt  }
0x73: {  	_ =	shalt  }
0x74: {  	_ =	shalt  }
0x75: {  	_ =	shalt  }
0x76: {  	_ =	shalt  }
0x77: {  	_ =	shalt  }
0x78: {  	_ =	shalt  }
0x79: {  	_ =	shalt  }
0x7a: {  	_ =	shalt  }
0x7b: {  	_ =	shalt  }
0x7c: {  	_ =	shalt  }
0x7d: {  	_ =	shalt  }
0x7e: {  	_ =	shalt  }
0x7f: {  	_ =	shalt  }
0x80: {  	_ =	shalt  }
0x81: {  	_ =	shalt  }
0x82: {  	_ =	shalt  }
0x83: {  	_ =	shalt  }
0x84: {  	_ =	shalt  }
0x85: {  	_ =	shalt  }
0x86: {  	_ =	shalt  }
0x87: {  	_ =	shalt  }
.Lfunc_end0:
.L_simem_size_0:
called_computation_lowered:
.L_overlay_start_0:
0x88: {  	s2 =	sld [smem:$0x3FD9]  }
0x89: {  	s3 =	sld [smem:$0x3FFE];
	_ =	sdelay $0x1  }
0x8a: {  	s1 =	srdreg.scid  }
0x8b: {  	s0 =	sand.u32 $0x1, s1  }
0x8c: {  	s18 =	sshll.u32 s0, $0xA;
	s2 =	sadd.s32 s3, s2  }
0x8d: {  	s2 =	sadd.s32 s2, s18  }
0x8e: {  	[smem:$0x3FC5] =	sst s2  }
0x8f: {  	_ = 	snop  }
0x90: {  	s2 =	sld [smem:$0x3FC9]  }
0x91: {  	s19 =	sld [smem:$0x3FC8]  }
0x92: {  	s4 =	sld [smem:$0x3FC7]  }
0x93: {  	s5 =	sld [smem:$0x3FD0];
	(tm) =	ssettm $0x1  }
0x94: {  	s6 =	sld [smem:$0x3FFB];
	_ =	sdelay $0x3  }
0x95: {  	_ =	strace s6  }
0x96: {  	s6 =	sld [smem:$0x3FFC];
	_ =	sdelay $0x3  }
0x97: {  	_ =	strace s6  }
0x98: {  	s6 =	sld [smem:$0x3FFD];
	_ =	sdelay $0x3  }
0x99: {  	_ =	strace s6  }
0x9a: {  	_ =	strace $0x8FFFFFFF  }
0x9b: {  	s20 =	sld [smem:$0x3FDB];
	_ =	sdelay $0x1  }
0x9c: {  	s7 =	simm.s32 $_scs_section_size  }
0x9d: {  	s8 =	simm.s32 $_size__tile_overlayer_lowered;
	s9 =	simm.s32 $_tile_overlayer_lowered  }
0x9e: {  	s23 =	simm.s32 $0x1BFF;
	s22 =	sshll.u32 s9, $0x1;
	s6 =	sadd.s32 s7, s20  }
0x9f: {  	s10 =	simm.s32 $0x0;
	s21 =	sshll.u32 s8, $0x1;
	s8 =	sadd.s32 s22, s6  }
0xa0: {  	[timem:s10], [sflag:s23] =	dma.local [hbm:s8], s21  }
0xa1: {  	_ =	swait.ge [sflag:s23], s21  }
0xa2: {  	s7 =	ssub.s32 $0x0, s21;
	[sflag:s23] =	ssyncset.done $0x0  }
0xa3: {  	[sflag:s23] =	ssyncadd.s32 s7;
	_ =	sdelay $0x1  }
0xa4: {  	s24 =	simm.s32 $0x1B8B  }
0xa5: {  	_ =	swait.ge [sflag:s24], $0x1  }
0xa6: {  	[sflag:s24] =	ssyncset.done $0x0  }
0xa7: {  	s25 =	simm.s32 $0x1B8E;
	[sflag:s24] =	ssyncadd.s32 $0xFFFFFFFF  }
0xa8: {  	s26 =	simm.s32 $execute0_lowered;
	[smem:$0x3FD2] =	sst s25  }
0xa9: {  	s7 =	sshll.u32 s26, $0x1;
	_ =	strace $0x80000046;
	[dreg:$0x1] =	wrdreg $0xFFFFFFFF  }
0xaa: {  	s28 =	simm.s32 $_size_execute0_lowered;
	s6 =	sadd.s32 s6, s7;
	[dreg:$0x0] =	wrdreg $0x0  }
0xab: {  	s7 =	sshll.u32 s28, $0x1;
	[dreg:$0x2] =	wrdreg s6  }
0xac: {  	[dreg:$0x3] =	wrdreg s7  }
0xad: {  	[dreg:$0x4] =	wrdreg $0xC0  }
0xae: {  	_ =	task [dreg:s10], $0x5FFFF  }
0xaf: {  	[dreg:$0x1] =	wrdreg $0xFFFFFFFF  }
0xb0: {  	[dreg:$0x0] =	wrdreg $0x60  }
0xb1: {  	[dreg:$0x2] =	wrdreg s2  }
0xb2: {  	[dreg:$0x3] =	wrdreg s19  }
0xb3: {  	[dreg:$0x4] =	wrdreg s4  }
0xb4: {  	[dreg:$0x5] =	wrdreg s5  }
0xb5: {  	[dreg:$0x6] =	wrdreg $0x83000  }
0xb6: {  	[dreg:$0x7] =	wrdreg $0x9  }
0xb7: {  	_ =	task.clear_ibuf [dreg:s10], $0x8FFFF;
	_ =	strace $0x90000046  }
0xb8: {  	s29 =	simm.s32 $0x9;
	_ =	strace $0x80000048  }
0xb9: {  	_ =	swait.ge [sflag:s29], $0x1  }
0xba: {  	[sflag:s29] =	ssyncadd.s32 $0xFFFFFFFF  }
0xbb: {  	_ =	strace $0x90000048  }
0xbc: {  	_ =	sfence  }
0xbd: {  	s30 =	sld [smem:$0x0];
	_ =	sdelay $0x2  }
0xbe: {  	s31 =	sshll.u32 s1, $0xD;
	s1 =	sshrl.u32 s1, $0x2  }
0xbf: {  	s3 =	sand.u32 $0x4000, s31;
	s1 =	sadd.s32 s1, s30  }
0xc0: {  	s0 =	sor.u32 s3, s0;
	s1 =	sshll.u32 s1, $0x11  }
0xc1: {  	s0 =	sor.u32 s1, s0  }
0xc2: {  	s0 =	sadd.s32 $0x8F2B, s0  }
0xc3: {  	[sflag:s0] =	ssyncadd.remote.s32 $0x1  }
0xc4: {  	_ =	sfence.sel $0xFFFF  }
0xc5: {  	[dreg:$0x0] =	wrdreg $0xFFFFFFFF;
	(pc) =	sbr.abs _section_cstart, $3  }
0xc6: {  	[dreg:$0x1] =	wrdreg $0xFFFFFFFF  }
0xc7: {  	_ =	task.clear_ibuf [dreg:s10], $0x2FFFF;
	_ =	strace $0x9FFFFFFF  }
0xc8: {  	(tm) =	ssettm $0x7FFFFFFF  }
0xc9: {  	_ =	shalt  }
tec
execute0_lowered:
.L_overlay_start_1:
0x0: {  	(tag) =	ssettag $0x1  }
0x1: {  	s5 =	rddreg [dreg:$0x0]  }
0x2: {  	s2 =	rddreg [dreg:$0x1]  }
0x3: {  	s6 =	rddreg [dreg:$0x2]  }
0x4: {  	s0 =	stileid.u32;
	s19 =	rddreg [dreg:$0x3]  }
0x5: {  	s1 =	srdreg.scid;
	s3 =	rddreg [dreg:$0x4];
	s4 =	sshll.u32 s0, $0x1  }
0x6: {  	s24 =	sand.u32 $0x1, s1;
	s21 =	sshll.u32 s0, $0x6;
	s22 =	sshrl.u32 s0, $0x2  }
0x7: {  	s9 =	sshll.u32 s0, $0x8;
	s8 =	sshll.u32 s0, $0xF;
	s7 =	sand.u32 $0x6, s4  }
0x8: {  	s4 =	simm.s32 $0x0;
	s18 =	sor.u32 $0x1C02, s21;
	s23 =	sadd.s32 s8, s3  }
0x9: {  	s25 =	sshll.u32 s22, $0x4;
	s12 =	sor.u32 $0xE0, s9;
	s13 =	sor.u32 $0xF0, s9  }
0xa: {  	s7 =	sor.u32 s24, s7;
	[smem:$0x7FF] =	sst s4;
	s5 =	sadd.s32 s5, s25  }
0xb: {  	s20 =	sshll.u32 s7, $0xC;
	_ =	strace $0x80000047;
	[dreg:$0x7] =	wrdreg s18  }
0xc: {  	s7 =	sshll.u32 s7, $0x7;
	s6 =	sadd.s32 s6, s20;
	s11 =	rddreg [dreg:$0x7]  }
0xd: {  	s8 =	simm.s32 $0x200;
	s5 =	sadd.s32 s7, s5;
	[dreg:$0x6] =	wrdreg s6  }
0xe: {  	s7 =	simm.s32 $0x80;
	s6 =	sshrl.u32 s23, $0x3;
	s10 =	rddreg [dreg:$0x6]  }
0xf: {  	v15 =	vlaneseq.u32;
	[spmem:s6], [sflag:s11] =	dma.local [hbm:s10], $0x1000  }
0x10: {  	v0 =	vor.u32 s13, v15;
	[tilespmem:s4], [sflag:$0x1] =	stream.strided.gather [hbm4b:s5+s7], $0x100, s8, s7, $0x38;
	[tilespmem:$0x10300] =	vst v63  }
0x11: {  	s26 =	sor.u32 $0xD0, s9;
	v1 =	vor.u32 s12, v15;
	[tilespmem:$0x2B0] =	vst v0  }
0x12: {  	s28 =	sor.u32 $0xC0, s9;
	v2 =	vor.u32 s26, v15;
	[tilespmem:$0x2A0] =	vst v1  }
0x13: {  	s0 =	sor.u32 $0xB0, s9;
	v3 =	vor.u32 s28, v15;
	[tilespmem:$0x290] =	vst v2  }
0x14: {  	s1 =	sor.u32 $0xA0, s9;
	v4 =	vor.u32 s0, v15;
	[tilespmem:$0x280] =	vst v3  }
0x15: {  	s12 =	sor.u32 $0x90, s9;
	v5 =	vor.u32 s1, v15;
	[tilespmem:$0x230] =	vst v4  }
0x16: {  	s25 =	sor.u32 $0x80, s9;
	v6 =	vor.u32 s12, v15;
	[tilespmem:$0x220] =	vst v5  }
0x17: {  	s13 =	sor.u32 $0x70, s9;
	v7 =	vor.u32 s25, v15;
	[tilespmem:$0x210] =	vst v6  }
0x18: {  	s14 =	sor.u32 $0x60, s9;
	v8 =	vor.u32 s13, v15;
	[tilespmem:$0x200] =	vst v7  }
0x19: {  	s15 =	sor.u32 $0x50, s9;
	v9 =	vor.u32 s14, v15;
	[tilespmem:$0x1B0] =	vst v8  }
0x1a: {  	v10 =	vor.u32 s15, v15;
	s23 =	sor.u32 $0x40, s9;
	[tilespmem:$0x1A0] =	vst v9  }
0x1b: {  	s16 =	sor.u32 $0x30, s9;
	v11 =	vor.u32 s23, v15;
	[tilespmem:$0x190] =	vst v10  }
0x1c: {  	s17 =	sor.u32 $0x20, s9;
	v12 =	vor.u32 s16, v15;
	[tilespmem:$0x180] =	vst v11  }
0x1d: {  	v13 =	vor.u32 s17, v15;
	s18 =	sor.u32 $0x10, s9;
	[tilespmem:$0x130] =	vst v12  }
0x1e: {  	v14 =	vor.u32 s18, v15;
	[tilespmem:$0x120] =	vst v13  }
0x1f: {  	v15 =	vor.u32 s9, v15;
	[tilespmem:$0x110] =	vst v14  }
0x20: {  	s9 =	simm.s32 $0x1;
	[tilespmem:$0x100] =	vst v15  }
0x21: {  	_ =	swait.ge [sflag:s9], $0x100  }
0x22: {  	[sflag:s9] =	ssyncset.done $0x0  }
0x23: {  	s10 =	simm.s32 $0x40;
	s11 =	simm.s32 $0x300;
	[sflag:s9] =	ssyncadd.s32 $0xFFFFFF00  }
0x24: {  	[tilespmem:s11], [sflag:$0x1] =	stream.indirect.gather [hbm4b:s2+s10], $0x80, s4, s10, $0xb8;
	[tilespmem:$0x10300] =	vst v63  }
0x25: {  	s12 =	simm.s32 $0x2300  }
0x26: {  	[tilespmem:s12], [sflag:$0x1] =	stream.indirect.gather [hbm4b:s2+s10], $0x80, s10, s10, $0xb8;
	[tilespmem:$0x10300] =	vst v63  }
0x27: {  	s13 =	simm.s32 $0x4300  }
0x28: {  	[tilespmem:s13], [sflag:$0x1] =	stream.indirect.gather [hbm4b:s2+s10], $0x80, s7, s10, $0xb8;
	[tilespmem:$0x10300] =	vst v63  }
0x29: {  	s14 =	simm.s32 $0xC0;
	s15 =	simm.s32 $0x6300;
	s16 =	simm.s32 $0x2  }
0x2a: {  	[tilespmem:s15], [sflag:$0x1] =	stream.indirect.gather [hbm4b:s2+s10], $0x80, s14, s10, $0xb8;
	[tilespmem:$0x10300] =	vst v63  }
0x2b: {  	_ =	swait.ge [sflag:s16], $0x1000  }
0x2c: {  	[sflag:s16] =	ssyncset.done $0x0  }
0x2d: {  	[sflag:s16] =	ssyncadd.s32 $0xFFFFF000  }
0x2e: {  	_ =	swait.ge [sflag:s9], $0x2000  }
0x2f: {  	[sflag:s9] =	ssyncset.done $0x0  }
0x30: {  	s17 =	simm.s32 $0x4;
	s18 =	simm.s32 $0x100;
	[sflag:s9] =	ssyncadd.s32 $0xFFFFE000  }
0x31: {  	[spmem:s3] =	stream.indirect.scatter.add.f32 [tilespmem:s11], [sflag:$0x4], $0x80, s18, s10, $0xb8;
	[tilespmem:$0x10300] =	vst v63  }
0x32: {  	s22 =	sshll.u32 s22, $0xF;
	_ =	swait.ge [sflag:s17], $0x2000  }
0x33: {  	s20 =	sor.u32 s22, s20;
	[sflag:s17] =	ssyncset.done $0x0  }
0x34: {  	s20 =	sadd.s32 s19, s20;
	s19 =	sor.u32 $0x1C03, s21;
	[sflag:s17] =	ssyncadd.s32 $0xFFFFE000  }
0x35: {  	[hbm:s20], [sflag:s19] =	dma.local [spmem:s6], $0x400  }
0x36: {  	_ =	swait.ge [sflag:s9], $0x2000  }
0x37: {  	[sflag:s9] =	ssyncset.done $0x0  }
0x38: {  	s21 =	simm.s32 $0x180;
	[sflag:s9] =	ssyncadd.s32 $0xFFFFE000  }
0x39: {  	[spmem:s3] =	stream.indirect.scatter.add.f32 [tilespmem:s12], [sflag:$0x4], $0x80, s21, s10, $0xb8;
	[tilespmem:$0x10300] =	vst v63  }
0x3a: {  	s26 =	sshll.u32 s23, $0x7;
	_ =	swait.ge [sflag:s17], $0x2000  }
0x3b: {  	s22 =	sadd.s32 s26, s3;
	[sflag:s17] =	ssyncset.done $0x0  }
0x3c: {  	s23 =	sadd.s32 $0x400, s20;
	s22 =	sshrl.u32 s22, $0x3;
	[sflag:s17] =	ssyncadd.s32 $0xFFFFE000  }
0x3d: {  	[hbm:s23], [sflag:s19] =	dma.local [spmem:s22], $0x400  }
0x3e: {  	_ =	swait.ge [sflag:s9], $0x2000  }
0x3f: {  	s24 =	ssub.s32 $0x2, s24;
	[sflag:s9] =	ssyncset.done $0x0  }
0x40: {  	s25 =	sshll.u32 s25, $0x7;
	s29 =	sshrl.u32 s24, $0x1;
	[sflag:s9] =	ssyncadd.s32 $0xFFFFE000  }
0x41: {  	[spmem:s3] =	stream.indirect.scatter.add.f32 [tilespmem:s13], [sflag:$0x4], $0x80, s8, s10, $0xb8;
	[tilespmem:$0x10300] =	vst v63  }
0x42: {  	s25 =	sadd.s32 s25, s3;
	s24 =	ssub.s32 s24, s29;
	_ =	swait.ge [sflag:s17], $0x2000  }
0x43: {  	s25 =	sshrl.u32 s25, $0x3;
	s24 =	smax.u32 s24, $0x1;
	[sflag:s17] =	ssyncset.done $0x0  }
0x44: {  	p0 =	sne.s32 s24, $0x1;
	s26 =	sadd.s32 $0x800, s20;
	[sflag:s17] =	ssyncadd.s32 $0xFFFFE000  }
0x45: {  	[hbm:s26], [sflag:s19] =	dma.local [spmem:s25], $0x400  }
.Ltmp0:
0x46: {  	s28 =	sshll.u32 s28, $0x7;
	(pc) =	sbr.rel @!p0 .LBB2_2-.Ltmp0, $4  }
0x47: {  	s30 =	simm.s32 $0x280;
	s28 =	sadd.s32 s28, s3;
	_ =	swait.ge [sflag:s9], $0x2000  }
0x48: {  	s28 =	sshrl.u32 s28, $0x3;
	s31 =	sadd.s32 $0xFFFFFFFF, s24;
	[sflag:s9] =	ssyncset.done $0x0  }
0x49: {  	s29 =	sadd.s32 $0xC00, s20;
	s24 =	simm.s32 $0x3;
	[sflag:s9] =	ssyncadd.s32 $0xFFFFE000  }
0x4a: {  	[spmem:s3] =	stream.indirect.scatter.add.f32 [tilespmem:s15], [sflag:$0x4], $0x80, s30, s10, $0xb8;
	[tilespmem:$0x10300] =	vst v63  }
.LBB2_1:
0x4b: {  	_ =	swait.ge [sflag:s17], $0x2000  }
0x4c: {  	[sflag:s17] =	ssyncset.done $0x0  }
0x4d: {  	[sflag:s17] =	ssyncadd.s32 $0xFFFFE000  }
0x4e: {  	[hbm:s29], [sflag:s19] =	dma.local [spmem:s28], $0x400  }
0x4f: {  	_ =	swait.ge [sflag:s24], $0x400  }
0x50: {  	[sflag:s24] =	ssyncset.done $0x0  }
0x51: {  	[sflag:s24] =	ssyncadd.s32 $0xFFFFFC00  }
0x52: {  	_ =	swait.ge [sflag:s24], $0x400  }
0x53: {  	[sflag:s24] =	ssyncset.done $0x0  }
0x54: {  	[sflag:s24] =	ssyncadd.s32 $0xFFFFFC00  }
0x55: {  	_ =	swait.ge [sflag:s24], $0x400  }
0x56: {  	[sflag:s24] =	ssyncset.done $0x0  }
0x57: {  	[sflag:s24] =	ssyncadd.s32 $0xFFFFFC00  }
0x58: {  	_ =	swait.ge [sflag:s24], $0x400  }
0x59: {  	s1 =	rddreg [dreg:$0x6];
	[sflag:s24] =	ssyncset.done $0x0  }
0x5a: {  	s0 =	rddreg [dreg:$0x7];
	[sflag:s24] =	ssyncadd.s32 $0xFFFFFC00  }
0x5b: {  	[spmem:s6], [sflag:s0] =	dma.local [hbm:s1], $0x1000  }
0x5c: {  	[tilespmem:s4], [sflag:$0x1] =	stream.strided.gather [hbm4b:s5+s7], $0x100, s8, s7, $0x38;
	[tilespmem:$0x10300] =	vst v63  }
0x5d: {  	[tilespmem:$0x2B0] =	vst v0  }
0x5e: {  	[tilespmem:$0x2A0] =	vst v1  }
0x5f: {  	[tilespmem:$0x290] =	vst v2  }
0x60: {  	[tilespmem:$0x280] =	vst v3  }
0x61: {  	[tilespmem:$0x230] =	vst v4  }
0x62: {  	[tilespmem:$0x220] =	vst v5  }
0x63: {  	[tilespmem:$0x210] =	vst v6  }
0x64: {  	[tilespmem:$0x200] =	vst v7  }
0x65: {  	[tilespmem:$0x1B0] =	vst v8  }
0x66: {  	[tilespmem:$0x1A0] =	vst v9  }
0x67: {  	[tilespmem:$0x190] =	vst v10  }
0x68: {  	[tilespmem:$0x180] =	vst v11  }
0x69: {  	[tilespmem:$0x130] =	vst v12  }
0x6a: {  	[tilespmem:$0x120] =	vst v13  }
0x6b: {  	[tilespmem:$0x110] =	vst v14  }
0x6c: {  	[tilespmem:$0x100] =	vst v15  }
0x6d: {  	_ =	swait.ge [sflag:s9], $0x100  }
0x6e: {  	[sflag:s9] =	ssyncset.done $0x0  }
0x6f: {  	[sflag:s9] =	ssyncadd.s32 $0xFFFFFF00  }
0x70: {  	[tilespmem:s11], [sflag:$0x1] =	stream.indirect.gather [hbm4b:s2+s10], $0x80, s4, s10, $0xb8;
	[tilespmem:$0x10300] =	vst v63  }
0x71: {  	_ = 	snop  }
0x72: {  	[tilespmem:s12], [sflag:$0x1] =	stream.indirect.gather [hbm4b:s2+s10], $0x80, s10, s10, $0xb8;
	[tilespmem:$0x10300] =	vst v63  }
0x73: {  	_ = 	snop  }
0x74: {  	[tilespmem:s13], [sflag:$0x1] =	stream.indirect.gather [hbm4b:s2+s10], $0x80, s7, s10, $0xb8;
	[tilespmem:$0x10300] =	vst v63  }
0x75: {  	_ = 	snop  }
0x76: {  	[tilespmem:s15], [sflag:$0x1] =	stream.indirect.gather [hbm4b:s2+s10], $0x80, s14, s10, $0xb8;
	[tilespmem:$0x10300] =	vst v63  }
0x77: {  	_ =	swait.ge [sflag:s16], $0x1000  }
0x78: {  	[sflag:s16] =	ssyncset.done $0x0  }
0x79: {  	[sflag:s16] =	ssyncadd.s32 $0xFFFFF000  }
0x7a: {  	_ =	swait.ge [sflag:s9], $0x2000  }
0x7b: {  	[sflag:s9] =	ssyncset.done $0x0  }
0x7c: {  	[sflag:s9] =	ssyncadd.s32 $0xFFFFE000  }
0x7d: {  	[spmem:s3] =	stream.indirect.scatter.add.f32 [tilespmem:s11], [sflag:$0x4], $0x80, s18, s10, $0xb8;
	[tilespmem:$0x10300] =	vst v63  }
0x7e: {  	_ =	swait.ge [sflag:s17], $0x2000  }
0x7f: {  	[sflag:s17] =	ssyncset.done $0x0  }
0x80: {  	[sflag:s17] =	ssyncadd.s32 $0xFFFFE000  }
0x81: {  	[hbm:s20], [sflag:s19] =	dma.local [spmem:s6], $0x400  }
0x82: {  	_ =	swait.ge [sflag:s9], $0x2000  }
0x83: {  	[sflag:s9] =	ssyncset.done $0x0  }
0x84: {  	[sflag:s9] =	ssyncadd.s32 $0xFFFFE000  }
0x85: {  	[spmem:s3] =	stream.indirect.scatter.add.f32 [tilespmem:s12], [sflag:$0x4], $0x80, s21, s10, $0xb8;
	[tilespmem:$0x10300] =	vst v63  }
0x86: {  	_ =	swait.ge [sflag:s17], $0x2000  }
0x87: {  	[sflag:s17] =	ssyncset.done $0x0  }
0x88: {  	[sflag:s17] =	ssyncadd.s32 $0xFFFFE000  }
0x89: {  	[hbm:s23], [sflag:s19] =	dma.local [spmem:s22], $0x400  }
0x8a: {  	_ =	swait.ge [sflag:s9], $0x2000  }
0x8b: {  	[sflag:s9] =	ssyncset.done $0x0  }
0x8c: {  	[sflag:s9] =	ssyncadd.s32 $0xFFFFE000  }
0x8d: {  	[spmem:s3] =	stream.indirect.scatter.add.f32 [tilespmem:s13], [sflag:$0x4], $0x80, s8, s10, $0xb8;
	[tilespmem:$0x10300] =	vst v63  }
0x8e: {  	_ =	swait.ge [sflag:s17], $0x2000  }
0x8f: {  	[sflag:s17] =	ssyncset.done $0x0  }
0x90: {  	p0 =	sne.s32 s31, $0x1;
	[sflag:s17] =	ssyncadd.s32 $0xFFFFE000  }
0x91: {  	[hbm:s26], [sflag:s19] =	dma.local [spmem:s25], $0x400  }
.Ltmp1:
0x92: {  	_ = 	snop;
	(pc) =	sbr.rel @p0 .LBB2_1-.Ltmp1, $4  }
0x93: {  	_ =	swait.ge [sflag:s9], $0x2000  }
0x94: {  	[sflag:s9] =	ssyncset.done $0x0  }
0x95: {  	s31 =	sadd.s32 $0xFFFFFFFF, s31;
	[sflag:s9] =	ssyncadd.s32 $0xFFFFE000  }
0x96: {  	[spmem:s3] =	stream.indirect.scatter.add.f32 [tilespmem:s15], [sflag:$0x4], $0x80, s30, s10, $0xb8;
	[tilespmem:$0x10300] =	vst v63  }
.LBB2_2:
0x97: {  	_ =	swait.ge [sflag:s17], $0x2000  }
0x98: {  	[sflag:s17] =	ssyncset.done $0x0  }
0x99: {  	[sflag:s17] =	ssyncadd.s32 $0xFFFFE000  }
0x9a: {  	[hbm:s29], [sflag:s19] =	dma.local [spmem:s28], $0x400  }
0x9b: {  	_ =	swait.ge [sflag:s24], $0x400  }
0x9c: {  	[sflag:s24] =	ssyncset.done $0x0  }
0x9d: {  	[sflag:s24] =	ssyncadd.s32 $0xFFFFFC00  }
0x9e: {  	_ =	swait.ge [sflag:s24], $0x400  }
0x9f: {  	[sflag:s24] =	ssyncset.done $0x0  }
0xa0: {  	[sflag:s24] =	ssyncadd.s32 $0xFFFFFC00  }
0xa1: {  	_ =	swait.ge [sflag:s24], $0x400  }
0xa2: {  	[sflag:s24] =	ssyncset.done $0x0  }
0xa3: {  	[sflag:s24] =	ssyncadd.s32 $0xFFFFFC00  }
0xa4: {  	_ =	swait.ge [sflag:s24], $0x400  }
0xa5: {  	[sflag:s24] =	ssyncset.done $0x0  }
0xa6: {  	[sflag:s24] =	ssyncadd.s32 $0xFFFFFC00  }
0xa7: {  	_ =	sfence.sel $0x180000  }
0xa8: {  	[bflag:$0x0] =	sbarrier.arrive $0xFFFF  }
0xa9: {  	_ =	strace $0x90000047  }
0xaa: {  	s0 =	stileid.u32;
	[bflag:$0x2] =	sbarrier.arrive $0xFFFF  }
0xab: {  	p0 =	sne.s32 s0, $0x0;
	s0 =	rddreg [dreg:$0x5]  }
0xac: {  	s0 =	sadd.s32 @!p0 $0x100000, s0  }
0xad: {  	[sflag:s0] =	ssyncadd.tile.s32 @!p0 $0x1;
	_ =	shalt  }
.Lfunc_end2:
_tile_overlayer_lowered:
.L_overlay_start_2:
0xae: {  	(tag) =	ssettag $0x2  }
0xaf: {  	s0 =	rddreg [dreg:$0x0];
	s2 =	stileid.u32  }
0xb0: {  	s1 =	rddreg [dreg:$0x1];
	p0 =	sne.s32 s2, $0x0  }
0xb1: {  	s3 =	rddreg [dreg:$0x2];
	[bflag:$0x3] =	sbarrier.arrive $0xFFFF;
	s2 =	simm.s32 @!p0 $0x1C04  }
0xb2: {  	[timem:s3], [sflag:s2] =	dma.local @!p0 [hbm:s0], s1  }
0xb3: {  	s0 =	simm.s32 @!p0 $0x4  }
0xb4: {  	_ =	swait.ge @!p0 [sflag:s0], s1  }
0xb5: {  	s1 =	ssub.s32 @!p0 $0x0, s1;
	[sflag:s0] =	ssyncset.done @!p0 $0x0  }
0xb6: {  	[sflag:s0] =	ssyncadd.s32 @!p0 s1  }
0xb7: {  	[bflag:$0x3] =	sbarrier.arrive $0xFFFF  }
0xb8: {  	_ =	shalt  }

</sc_bundles>
